<compile_context>
chip_gen: v7x
topology: tpu7x:2x2x1
jax: 0.10.2.dev20260603
libtpu: 0.0.44.dev20260713+nightly
codegen_flags: <defaults>
</compile_context>

<pallas_src>
import functools

import jax
import jax.numpy as jnp
from jax import lax
from jax.experimental import pallas as pl
from jax.experimental.pallas import tpu as pltpu
from jax.experimental.pallas import tpu_sc as plsc



def _node_scores_body(block, u_ref, i_ref, w_ref, b_ref, us_ref, is_ref):
    g = pl.program_id(0)
    d_u = u_ref.shape[1]
    wu = w_ref[:, :d_u]
    wi = w_ref[:, d_u:]
    dn = (((1,), (1,)), ((), ()))
    us = lax.dot_general(wu, u_ref[...], dn, preferred_element_type=jnp.float32)
    vs = lax.dot_general(wi, i_ref[...], dn, preferred_element_type=jnp.float32)
    sl = pl.ds(g * block, block)
    us_ref[sl] = us[0]
    is_ref[sl] = vs[0] + b_ref[0, 0]


def _node_scores(user_feat, item_feat, W, b):
    n_user, d_u = user_feat.shape
    n_item, d_i = item_feat.shape
    block = 2048
    grid = ((n_user + block - 1) // block,)
    n_pad = grid[0] * block
    b2 = b.reshape(1, 1)
    return pl.pallas_call(
        functools.partial(_node_scores_body, block),
        grid=grid,
        in_specs=[
            pl.BlockSpec((block, d_u), lambda i: (i, 0)),
            pl.BlockSpec((block, d_i), lambda i: (i, 0)),
            pl.BlockSpec((1, d_u + d_i), lambda i: (0, 0)),
            pl.BlockSpec((1, 1), lambda i: (0, 0)),
        ],
        out_specs=[
            pl.BlockSpec((n_pad,), lambda i: (0,)),
            pl.BlockSpec((n_pad,), lambda i: (0,)),
        ],
        out_shape=[
            jax.ShapeDtypeStruct((n_pad,), jnp.float32),
            jax.ShapeDtypeStruct((n_pad,), jnp.float32),
        ],
    )(user_feat, item_feat, W, b2)



_N_CHUNKS = 5


def _edge_scores(u_score, i_score, edge_src, edge_dst):
    n_user = u_score.shape[0]
    n_item = i_score.shape[0]
    e = edge_src.shape[0]
    info = plsc.get_sparse_core_info()
    nc, ns = info.num_cores, info.num_subcores
    nw = nc * ns
    epw = e // nw
    mesh = plsc.VectorSubcoreMesh(core_axis_name="c", subcore_axis_name="s")

    @functools.partial(
        pl.kernel,
        mesh=mesh,
        compiler_params=pltpu.CompilerParams(
            needs_layout_passes=False, use_tc_tiling_on_sc=False),
        out_type=jax.ShapeDtypeStruct((e,), jnp.float32),
        scratch_types=[
            pltpu.VMEM((epw,), jnp.int32),
            pltpu.VMEM((epw,), jnp.int32),
            pltpu.VMEM((n_user,), jnp.float32),
            pltpu.VMEM((n_item,), jnp.float32),
            pltpu.VMEM((epw,), jnp.float32),
            pltpu.VMEM_SHARED((n_user,), jnp.float32),
            pltpu.VMEM_SHARED((n_item,), jnp.float32),
            pltpu.SemaphoreType.DMA,
            pltpu.SemaphoreType.DMA,
            [pltpu.SemaphoreType.DMA] * _N_CHUNKS,
        ],
    )
    def sc_kernel(us_hbm, is_hbm, src_hbm, dst_hbm, out_hbm,
                  src_v, dst_v, us_v, is_v, out_v, us_sh, is_sh,
                  tab_sem, out_sem, in_sems):
        sid = lax.axis_index("s")
        wid = sid * nc + lax.axis_index("c")
        base = wid * epw
        ce = epw // _N_CHUNKS
        citer = ce // 16

        @pl.when(sid == 0)
        def _():
            s1 = pltpu.async_copy(us_hbm, us_sh, tab_sem)
            s2 = pltpu.async_copy(is_hbm, is_sh, tab_sem)
            s1.wait()
            s2.wait()

        plsc.subcore_barrier()
        t1 = pltpu.async_copy(us_sh, us_v, tab_sem)
        t2 = pltpu.async_copy(is_sh, is_v, tab_sem)
        in_copies = []
        for k in range(_N_CHUNKS):
            o = k * ce
            in_copies.append((
                pltpu.async_copy(src_hbm.at[pl.ds(base + o, ce)],
                                 src_v.at[pl.ds(o, ce)], in_sems[k]),
                pltpu.async_copy(dst_hbm.at[pl.ds(base + o, ce)],
                                 dst_v.at[pl.ds(o, ce)], in_sems[k]),
            ))
        t1.wait()
        t2.wait()
        out_copies = []
        for k in range(_N_CHUNKS):
            c1, c2 = in_copies[k]
            c1.wait()
            c2.wait()

            @plsc.parallel_loop(k * citer, (k + 1) * citer, unroll=5)
            def body(i):
                sl = pl.ds(i * 16, 16)
                vu = plsc.load_gather(us_v, [src_v[sl]])
                vi = plsc.load_gather(is_v, [dst_v[sl]])
                out_v[sl] = vu + vi

            o = k * ce
            out_copies.append(
                pltpu.async_copy(out_v.at[pl.ds(o, ce)],
                                 out_hbm.at[pl.ds(base + o, ce)], out_sem))
        for c in out_copies:
            c.wait()

    return sc_kernel(u_score, i_score, edge_src, edge_dst)


def kernel(user_feat, item_feat, edge_src, edge_dst, W, b):
    u_score, i_score = _node_scores(user_feat, item_feat, W, b)
    out = _edge_scores(u_score, i_score, edge_src, edge_dst)
    return out.reshape(edge_src.shape[0], 1)

# --- scband reference (transcript-rebuilt; emitter-appended) ---
"""Pipeline reference for scband-mlppredictor-13778255085861 (READ-ONLY COPY).

The authoritative reference and input builder live on the scoring server;
editing this copy changes nothing except your own understanding.
"""

import jax, jax.numpy as jnp
import numpy as np

N_USER = 10000
N_ITEM = 10000
E = 320000
D_U = 128
D_I = 128
OUT = 1

def setup_inputs(seed: int = 0) -> dict:
    key = jax.random.key(seed)
    k1, k2, k3, k4, k5, k6 = jax.random.split(key, 6)
    user_feat = jax.random.normal(k1, (N_USER, D_U), dtype=jnp.float32)
    item_feat = jax.random.normal(k2, (N_ITEM, D_I), dtype=jnp.float32)
    edge_src = jax.random.randint(k3, (E,), 0, N_USER, dtype=jnp.int64 if jax.config.jax_enable_x64 else jnp.int32).astype(jnp.int32)
    edge_dst = jax.random.randint(k4, (E,), 0, N_ITEM, dtype=jnp.int64 if jax.config.jax_enable_x64 else jnp.int32).astype(jnp.int32)
    # nn.Linear(in_features_0 + in_features_1, out_classes): W [out, in], b [out]
    bound = 1.0 / np.sqrt(D_U + D_I)
    W = jax.random.uniform(k5, (OUT, D_U + D_I), dtype=jnp.float32, minval=-bound, maxval=bound)
    b = jax.random.uniform(k6, (OUT,), dtype=jnp.float32, minval=-bound, maxval=bound)
    return {"user_feat": user_feat, "item_feat": item_feat, "edge_src": edge_src, "edge_dst": edge_dst, "W": W, "b": b}

def reference(user_feat, item_feat, edge_src, edge_dst, W, b):
    # DGL apply_edges: gather src user features and dst item features per edge
    features_u = jnp.take(user_feat, edge_src, axis=0)   # [E, D_U]
    features_v = jnp.take(item_feat, edge_dst, axis=0)   # [E, D_I]
    feats = jnp.concatenate([features_u, features_v], axis=1)  # [E, D_U+D_I]
    # self.W(cat) : Linear -> x @ W.T + b
    score = feats @ W.T + b                               # [E, OUT]
    return score

if __name__ == "__main__":
    import jax
    _d = setup_inputs()
    print(jax.jit(kernel)(*tuple(_d.values())))

</pallas_src>

<mosaic_0001>
#map = affine_map<(d0, d1) -> (0)>
module attributes {stable_mosaic.version = 14 : i64} {
  func.func @sc_kernel(%arg0: i32, %arg1: i32, %arg2: memref<10240xf32, #tpu.memory_space<hbm>>, %arg3: memref<10240xf32, #tpu.memory_space<hbm>>, %arg4: memref<320000xi32, #tpu.memory_space<hbm>>, %arg5: memref<320000xi32, #tpu.memory_space<hbm>>, %arg6: memref<320000xf32, #tpu.memory_space<hbm>>, %arg7: memref<10000xi32, #tpu.memory_space<vmem>>, %arg8: memref<10000xi32, #tpu.memory_space<vmem>>, %arg9: memref<10240xf32, #tpu.memory_space<vmem>>, %arg10: memref<10240xf32, #tpu.memory_space<vmem>>, %arg11: memref<10000xf32, #tpu.memory_space<vmem>>, %arg12: memref<10240xf32, #tpu.memory_space<vmem_shared>>, %arg13: memref<10240xf32, #tpu.memory_space<vmem_shared>>, %arg14: memref<!tpu.dma_semaphore, #tpu.memory_space<semaphore_mem>>, %arg15: memref<!tpu.dma_semaphore, #tpu.memory_space<semaphore_mem>>, %arg16: memref<!tpu.dma_semaphore, #tpu.memory_space<semaphore_mem>>, %arg17: memref<!tpu.dma_semaphore, #tpu.memory_space<semaphore_mem>>, %arg18: memref<!tpu.dma_semaphore, #tpu.memory_space<semaphore_mem>>, %arg19: memref<!tpu.dma_semaphore, #tpu.memory_space<semaphore_mem>>, %arg20: memref<!tpu.dma_semaphore, #tpu.memory_space<semaphore_mem>>) attributes {dimension_semantics = [#tpu.dimension_semantics<core_parallel>, #tpu.dimension_semantics<subcore_parallel>], iteration_bounds = array<i64: 2, 16>, scalar_prefetch = 0 : i64, scratch_operands = 14 : i64, tpu.core_type = #tpu.core_type<sc_vector_subcore>, window_params = [{transform_indices = #map}, {transform_indices = #map}, {transform_indices = #map}, {transform_indices = #map}, {transform_indices = #map}]} {
    %mul3A = arith.constant 2 : i32
    %mul3A_0 = arith.muli %arg1, %mul3A : i32
    %add3A = arith.addi %mul3A_0, %arg0 : i32
    %mul3A_1 = arith.constant 10000 : i32
    %mul3A_2 = arith.muli %add3A, %mul3A_1 : i32
    %eq3A = arith.constant 0 : i32
    %eq3A_3 = arith.cmpi eq, %arg1, %eq3A : i32
    %convert_element_type3A = arith.extui %eq3A_3 : i1 to i32
    %cond3A = arith.constant 0 : i32
    %cond3A_4 = arith.cmpi ne, %convert_element_type3A, %cond3A : i32
    scf.if %cond3A_4 {
      tpu.enqueue_dma source(%arg2 : memref<10240xf32, #tpu.memory_space<hbm>>) target(%arg12 : memref<10240xf32, #tpu.memory_space<vmem_shared>>) target_semaphore(%arg14 : memref<!tpu.dma_semaphore, #tpu.memory_space<semaphore_mem>>)
      tpu.enqueue_dma source(%arg3 : memref<10240xf32, #tpu.memory_space<hbm>>) target(%arg13 : memref<10240xf32, #tpu.memory_space<vmem_shared>>) target_semaphore(%arg14 : memref<!tpu.dma_semaphore, #tpu.memory_space<semaphore_mem>>)
      tpu.wait_dma2 semaphore(%arg14 : memref<!tpu.dma_semaphore, #tpu.memory_space<semaphore_mem>>) src(%arg2 : memref<10240xf32, #tpu.memory_space<hbm>>) dst(%arg12 : memref<10240xf32, #tpu.memory_space<vmem_shared>>)
      tpu.wait_dma2 semaphore(%arg14 : memref<!tpu.dma_semaphore, #tpu.memory_space<semaphore_mem>>) src(%arg3 : memref<10240xf32, #tpu.memory_space<hbm>>) dst(%arg13 : memref<10240xf32, #tpu.memory_space<vmem_shared>>)
    } else {
    }
    %barrier3A = arith.constant 0 : index
    tpu.barrier barrier_id(%barrier3A)
    tpu.enqueue_dma source(%arg12 : memref<10240xf32, #tpu.memory_space<vmem_shared>>) target(%arg9 : memref<10240xf32, #tpu.memory_space<vmem>>) target_semaphore(%arg14 : memref<!tpu.dma_semaphore, #tpu.memory_space<semaphore_mem>>)
    tpu.enqueue_dma source(%arg13 : memref<10240xf32, #tpu.memory_space<vmem_shared>>) target(%arg10 : memref<10240xf32, #tpu.memory_space<vmem>>) target_semaphore(%arg14 : memref<!tpu.dma_semaphore, #tpu.memory_space<semaphore_mem>>)
    %add3A_5 = arith.constant 0 : i32
    %add3A_6 = arith.addi %mul3A_2, %add3A_5 : i32
    %dma_start3A = arith.constant 0 : i32
    %dma_start3A_7 = tpu.memref_slice %arg7[%dma_start3A] : memref<10000xi32, #tpu.memory_space<vmem>> -> memref<2000xi32, #tpu.memory_space<vmem>>
    %dma_start3A_8 = tpu.memref_slice %arg4[%add3A_6] : memref<320000xi32, #tpu.memory_space<hbm>> -> memref<2000xi32, #tpu.memory_space<hbm>>
    %dma_start3A_9 = arith.constant 0 : i32
    %dma_start3A_10 = tpu.memref_slice %arg7[%dma_start3A_9] : memref<10000xi32, #tpu.memory_space<vmem>> -> memref<2000xi32, #tpu.memory_space<vmem>>
    %dma_start3A_11 = tpu.memref_slice %arg4[%add3A_6] : memref<320000xi32, #tpu.memory_space<hbm>> -> memref<2000xi32, #tpu.memory_space<hbm>>
    tpu.enqueue_dma source(%dma_start3A_11 : memref<2000xi32, #tpu.memory_space<hbm>>) target(%dma_start3A_10 : memref<2000xi32, #tpu.memory_space<vmem>>) target_semaphore(%arg16 : memref<!tpu.dma_semaphore, #tpu.memory_space<semaphore_mem>>)
    %add3A_12 = arith.constant 0 : i32
    %add3A_13 = arith.addi %mul3A_2, %add3A_12 : i32
    %dma_start3A_14 = arith.constant 0 : i32
    %dma_start3A_15 = tpu.memref_slice %arg8[%dma_start3A_14] : memref<10000xi32, #tpu.memory_space<vmem>> -> memref<2000xi32, #tpu.memory_space<vmem>>
    %dma_start3A_16 = tpu.memref_slice %arg5[%add3A_13] : memref<320000xi32, #tpu.memory_space<hbm>> -> memref<2000xi32, #tpu.memory_space<hbm>>
    %dma_start3A_17 = arith.constant 0 : i32
    %dma_start3A_18 = tpu.memref_slice %arg8[%dma_start3A_17] : memref<10000xi32, #tpu.memory_space<vmem>> -> memref<2000xi32, #tpu.memory_space<vmem>>
    %dma_start3A_19 = tpu.memref_slice %arg5[%add3A_13] : memref<320000xi32, #tpu.memory_space<hbm>> -> memref<2000xi32, #tpu.memory_space<hbm>>
    tpu.enqueue_dma source(%dma_start3A_19 : memref<2000xi32, #tpu.memory_space<hbm>>) target(%dma_start3A_18 : memref<2000xi32, #tpu.memory_space<vmem>>) target_semaphore(%arg16 : memref<!tpu.dma_semaphore, #tpu.memory_space<semaphore_mem>>)
    %add3A_20 = arith.constant 2000 : i32
    %add3A_21 = arith.addi %mul3A_2, %add3A_20 : i32
    %dma_start3A_22 = arith.constant 2000 : i32
    %dma_start3A_23 = tpu.memref_slice %arg7[%dma_start3A_22] : memref<10000xi32, #tpu.memory_space<vmem>> -> memref<2000xi32, #tpu.memory_space<vmem>>
    %dma_start3A_24 = tpu.memref_slice %arg4[%add3A_21] : memref<320000xi32, #tpu.memory_space<hbm>> -> memref<2000xi32, #tpu.memory_space<hbm>>
    %dma_start3A_25 = arith.constant 2000 : i32
    %dma_start3A_26 = tpu.memref_slice %arg7[%dma_start3A_25] : memref<10000xi32, #tpu.memory_space<vmem>> -> memref<2000xi32, #tpu.memory_space<vmem>>
    %dma_start3A_27 = tpu.memref_slice %arg4[%add3A_21] : memref<320000xi32, #tpu.memory_space<hbm>> -> memref<2000xi32, #tpu.memory_space<hbm>>
    tpu.enqueue_dma source(%dma_start3A_27 : memref<2000xi32, #tpu.memory_space<hbm>>) target(%dma_start3A_26 : memref<2000xi32, #tpu.memory_space<vmem>>) target_semaphore(%arg17 : memref<!tpu.dma_semaphore, #tpu.memory_space<semaphore_mem>>)
    %add3A_28 = arith.constant 2000 : i32
    %add3A_29 = arith.addi %mul3A_2, %add3A_28 : i32
    %dma_start3A_30 = arith.constant 2000 : i32
    %dma_start3A_31 = tpu.memref_slice %arg8[%dma_start3A_30] : memref<10000xi32, #tpu.memory_space<vmem>> -> memref<2000xi32, #tpu.memory_space<vmem>>
    %dma_start3A_32 = tpu.memref_slice %arg5[%add3A_29] : memref<320000xi32, #tpu.memory_space<hbm>> -> memref<2000xi32, #tpu.memory_space<hbm>>
    %dma_start3A_33 = arith.constant 2000 : i32
    %dma_start3A_34 = tpu.memref_slice %arg8[%dma_start3A_33] : memref<10000xi32, #tpu.memory_space<vmem>> -> memref<2000xi32, #tpu.memory_space<vmem>>
    %dma_start3A_35 = tpu.memref_slice %arg5[%add3A_29] : memref<320000xi32, #tpu.memory_space<hbm>> -> memref<2000xi32, #tpu.memory_space<hbm>>
    tpu.enqueue_dma source(%dma_start3A_35 : memref<2000xi32, #tpu.memory_space<hbm>>) target(%dma_start3A_34 : memref<2000xi32, #tpu.memory_space<vmem>>) target_semaphore(%arg17 : memref<!tpu.dma_semaphore, #tpu.memory_space<semaphore_mem>>)
    %add3A_36 = arith.constant 4000 : i32
    %add3A_37 = arith.addi %mul3A_2, %add3A_36 : i32
    %dma_start3A_38 = arith.constant 4000 : i32
    %dma_start3A_39 = tpu.memref_slice %arg7[%dma_start3A_38] : memref<10000xi32, #tpu.memory_space<vmem>> -> memref<2000xi32, #tpu.memory_space<vmem>>
    %dma_start3A_40 = tpu.memref_slice %arg4[%add3A_37] : memref<320000xi32, #tpu.memory_space<hbm>> -> memref<2000xi32, #tpu.memory_space<hbm>>
    %dma_start3A_41 = arith.constant 4000 : i32
    %dma_start3A_42 = tpu.memref_slice %arg7[%dma_start3A_41] : memref<10000xi32, #tpu.memory_space<vmem>> -> memref<2000xi32, #tpu.memory_space<vmem>>
    %dma_start3A_43 = tpu.memref_slice %arg4[%add3A_37] : memref<320000xi32, #tpu.memory_space<hbm>> -> memref<2000xi32, #tpu.memory_space<hbm>>
    tpu.enqueue_dma source(%dma_start3A_43 : memref<2000xi32, #tpu.memory_space<hbm>>) target(%dma_start3A_42 : memref<2000xi32, #tpu.memory_space<vmem>>) target_semaphore(%arg18 : memref<!tpu.dma_semaphore, #tpu.memory_space<semaphore_mem>>)
    %add3A_44 = arith.constant 4000 : i32
    %add3A_45 = arith.addi %mul3A_2, %add3A_44 : i32
    %dma_start3A_46 = arith.constant 4000 : i32
    %dma_start3A_47 = tpu.memref_slice %arg8[%dma_start3A_46] : memref<10000xi32, #tpu.memory_space<vmem>> -> memref<2000xi32, #tpu.memory_space<vmem>>
    %dma_start3A_48 = tpu.memref_slice %arg5[%add3A_45] : memref<320000xi32, #tpu.memory_space<hbm>> -> memref<2000xi32, #tpu.memory_space<hbm>>
    %dma_start3A_49 = arith.constant 4000 : i32
    %dma_start3A_50 = tpu.memref_slice %arg8[%dma_start3A_49] : memref<10000xi32, #tpu.memory_space<vmem>> -> memref<2000xi32, #tpu.memory_space<vmem>>
    %dma_start3A_51 = tpu.memref_slice %arg5[%add3A_45] : memref<320000xi32, #tpu.memory_space<hbm>> -> memref<2000xi32, #tpu.memory_space<hbm>>
    tpu.enqueue_dma source(%dma_start3A_51 : memref<2000xi32, #tpu.memory_space<hbm>>) target(%dma_start3A_50 : memref<2000xi32, #tpu.memory_space<vmem>>) target_semaphore(%arg18 : memref<!tpu.dma_semaphore, #tpu.memory_space<semaphore_mem>>)
    %add3A_52 = arith.constant 6000 : i32
    %add3A_53 = arith.addi %mul3A_2, %add3A_52 : i32
    %dma_start3A_54 = arith.constant 6000 : i32
    %dma_start3A_55 = tpu.memref_slice %arg7[%dma_start3A_54] : memref<10000xi32, #tpu.memory_space<vmem>> -> memref<2000xi32, #tpu.memory_space<vmem>>
    %dma_start3A_56 = tpu.memref_slice %arg4[%add3A_53] : memref<320000xi32, #tpu.memory_space<hbm>> -> memref<2000xi32, #tpu.memory_space<hbm>>
    %dma_start3A_57 = arith.constant 6000 : i32
    %dma_start3A_58 = tpu.memref_slice %arg7[%dma_start3A_57] : memref<10000xi32, #tpu.memory_space<vmem>> -> memref<2000xi32, #tpu.memory_space<vmem>>
    %dma_start3A_59 = tpu.memref_slice %arg4[%add3A_53] : memref<320000xi32, #tpu.memory_space<hbm>> -> memref<2000xi32, #tpu.memory_space<hbm>>
    tpu.enqueue_dma source(%dma_start3A_59 : memref<2000xi32, #tpu.memory_space<hbm>>) target(%dma_start3A_58 : memref<2000xi32, #tpu.memory_space<vmem>>) target_semaphore(%arg19 : memref<!tpu.dma_semaphore, #tpu.memory_space<semaphore_mem>>)
    %add3A_60 = arith.constant 6000 : i32
    %add3A_61 = arith.addi %mul3A_2, %add3A_60 : i32
    %dma_start3A_62 = arith.constant 6000 : i32
    %dma_start3A_63 = tpu.memref_slice %arg8[%dma_start3A_62] : memref<10000xi32, #tpu.memory_space<vmem>> -> memref<2000xi32, #tpu.memory_space<vmem>>
    %dma_start3A_64 = tpu.memref_slice %arg5[%add3A_61] : memref<320000xi32, #tpu.memory_space<hbm>> -> memref<2000xi32, #tpu.memory_space<hbm>>
    %dma_start3A_65 = arith.constant 6000 : i32
    %dma_start3A_66 = tpu.memref_slice %arg8[%dma_start3A_65] : memref<10000xi32, #tpu.memory_space<vmem>> -> memref<2000xi32, #tpu.memory_space<vmem>>
    %dma_start3A_67 = tpu.memref_slice %arg5[%add3A_61] : memref<320000xi32, #tpu.memory_space<hbm>> -> memref<2000xi32, #tpu.memory_space<hbm>>
    tpu.enqueue_dma source(%dma_start3A_67 : memref<2000xi32, #tpu.memory_space<hbm>>) target(%dma_start3A_66 : memref<2000xi32, #tpu.memory_space<vmem>>) target_semaphore(%arg19 : memref<!tpu.dma_semaphore, #tpu.memory_space<semaphore_mem>>)
    %add3A_68 = arith.constant 8000 : i32
    %add3A_69 = arith.addi %mul3A_2, %add3A_68 : i32
    %dma_start3A_70 = arith.constant 8000 : i32
    %dma_start3A_71 = tpu.memref_slice %arg7[%dma_start3A_70] : memref<10000xi32, #tpu.memory_space<vmem>> -> memref<2000xi32, #tpu.memory_space<vmem>>
    %dma_start3A_72 = tpu.memref_slice %arg4[%add3A_69] : memref<320000xi32, #tpu.memory_space<hbm>> -> memref<2000xi32, #tpu.memory_space<hbm>>
    %dma_start3A_73 = arith.constant 8000 : i32
    %dma_start3A_74 = tpu.memref_slice %arg7[%dma_start3A_73] : memref<10000xi32, #tpu.memory_space<vmem>> -> memref<2000xi32, #tpu.memory_space<vmem>>
    %dma_start3A_75 = tpu.memref_slice %arg4[%add3A_69] : memref<320000xi32, #tpu.memory_space<hbm>> -> memref<2000xi32, #tpu.memory_space<hbm>>
    tpu.enqueue_dma source(%dma_start3A_75 : memref<2000xi32, #tpu.memory_space<hbm>>) target(%dma_start3A_74 : memref<2000xi32, #tpu.memory_space<vmem>>) target_semaphore(%arg20 : memref<!tpu.dma_semaphore, #tpu.memory_space<semaphore_mem>>)
    %add3A_76 = arith.constant 8000 : i32
    %add3A_77 = arith.addi %mul3A_2, %add3A_76 : i32
    %dma_start3A_78 = arith.constant 8000 : i32
    %dma_start3A_79 = tpu.memref_slice %arg8[%dma_start3A_78] : memref<10000xi32, #tpu.memory_space<vmem>> -> memref<2000xi32, #tpu.memory_space<vmem>>
    %dma_start3A_80 = tpu.memref_slice %arg5[%add3A_77] : memref<320000xi32, #tpu.memory_space<hbm>> -> memref<2000xi32, #tpu.memory_space<hbm>>
    %dma_start3A_81 = arith.constant 8000 : i32
    %dma_start3A_82 = tpu.memref_slice %arg8[%dma_start3A_81] : memref<10000xi32, #tpu.memory_space<vmem>> -> memref<2000xi32, #tpu.memory_space<vmem>>
    %dma_start3A_83 = tpu.memref_slice %arg5[%add3A_77] : memref<320000xi32, #tpu.memory_space<hbm>> -> memref<2000xi32, #tpu.memory_space<hbm>>
    tpu.enqueue_dma source(%dma_start3A_83 : memref<2000xi32, #tpu.memory_space<hbm>>) target(%dma_start3A_82 : memref<2000xi32, #tpu.memory_space<vmem>>) target_semaphore(%arg20 : memref<!tpu.dma_semaphore, #tpu.memory_space<semaphore_mem>>)
    tpu.wait_dma2 semaphore(%arg14 : memref<!tpu.dma_semaphore, #tpu.memory_space<semaphore_mem>>) src(%arg12 : memref<10240xf32, #tpu.memory_space<vmem_shared>>) dst(%arg9 : memref<10240xf32, #tpu.memory_space<vmem>>)
    tpu.wait_dma2 semaphore(%arg14 : memref<!tpu.dma_semaphore, #tpu.memory_space<semaphore_mem>>) src(%arg13 : memref<10240xf32, #tpu.memory_space<vmem_shared>>) dst(%arg10 : memref<10240xf32, #tpu.memory_space<vmem>>)
    %dma_wait3A = arith.constant 0 : i32
    %dma_wait3A_84 = tpu.memref_slice %arg7[%dma_wait3A] : memref<10000xi32, #tpu.memory_space<vmem>> -> memref<2000xi32, #tpu.memory_space<vmem>>
    %dma_wait3A_85 = tpu.memref_slice %arg4[%add3A_6] : memref<320000xi32, #tpu.memory_space<hbm>> -> memref<2000xi32, #tpu.memory_space<hbm>>
    %dma_wait3A_86 = arith.constant 0 : i32
    %dma_wait3A_87 = tpu.memref_slice %arg7[%dma_wait3A_86] : memref<10000xi32, #tpu.memory_space<vmem>> -> memref<2000xi32, #tpu.memory_space<vmem>>
    %dma_wait3A_88 = tpu.memref_slice %arg4[%add3A_6] : memref<320000xi32, #tpu.memory_space<hbm>> -> memref<2000xi32, #tpu.memory_space<hbm>>
    tpu.wait_dma2 semaphore(%arg16 : memref<!tpu.dma_semaphore, #tpu.memory_space<semaphore_mem>>) src(%dma_wait3A_88 : memref<2000xi32, #tpu.memory_space<hbm>>) dst(%dma_wait3A_87 : memref<2000xi32, #tpu.memory_space<vmem>>)
    %dma_wait3A_89 = arith.constant 0 : i32
    %dma_wait3A_90 = tpu.memref_slice %arg8[%dma_wait3A_89] : memref<10000xi32, #tpu.memory_space<vmem>> -> memref<2000xi32, #tpu.memory_space<vmem>>
    %dma_wait3A_91 = tpu.memref_slice %arg5[%add3A_13] : memref<320000xi32, #tpu.memory_space<hbm>> -> memref<2000xi32, #tpu.memory_space<hbm>>
    %dma_wait3A_92 = arith.constant 0 : i32
    %dma_wait3A_93 = tpu.memref_slice %arg8[%dma_wait3A_92] : memref<10000xi32, #tpu.memory_space<vmem>> -> memref<2000xi32, #tpu.memory_space<vmem>>
    %dma_wait3A_94 = tpu.memref_slice %arg5[%add3A_13] : memref<320000xi32, #tpu.memory_space<hbm>> -> memref<2000xi32, #tpu.memory_space<hbm>>
    tpu.wait_dma2 semaphore(%arg16 : memref<!tpu.dma_semaphore, #tpu.memory_space<semaphore_mem>>) src(%dma_wait3A_94 : memref<2000xi32, #tpu.memory_space<hbm>>) dst(%dma_wait3A_93 : memref<2000xi32, #tpu.memory_space<vmem>>)
    %parallel_loop3A = arith.constant 0 : i32
    %parallel_loop3A_95 = arith.constant 125 : i32
    %parallel_loop3A_96 = arith.constant 1 : i32
    scf.for %parallel_loop3A_227 = %parallel_loop3A to %parallel_loop3A_95 step %parallel_loop3A_96  : i32 {
      %parallel_loop3A_228 = arith.constant 16 : i32
      %parallel_loop3A_229 = arith.muli %parallel_loop3A_227, %parallel_loop3A_228 : i32
      %parallel_loop3A_230 = arith.index_cast %parallel_loop3A_229 : i32 to index
      %parallel_loop3A_231 = tpu.vector_load %arg7[%parallel_loop3A_230] {strides = array<i32>} : memref<10000xi32, #tpu.memory_space<vmem>>, vector<16xi32>,
      %parallel_loop3A_232 = tpu.vector_load_idx %arg9[%parallel_loop3A_231] : memref<10240xf32, #tpu.memory_space<vmem>>[vector<16xi32>], vector<16xf32>,
      %parallel_loop3A_233 = arith.index_cast %parallel_loop3A_229 : i32 to index
      %parallel_loop3A_234 = tpu.vector_load %arg8[%parallel_loop3A_233] {strides = array<i32>} : memref<10000xi32, #tpu.memory_space<vmem>>, vector<16xi32>,
      %parallel_loop3A_235 = tpu.vector_load_idx %arg10[%parallel_loop3A_234] : memref<10240xf32, #tpu.memory_space<vmem>>[vector<16xi32>], vector<16xf32>,
      %parallel_loop3A_236 = arith.addf %parallel_loop3A_232, %parallel_loop3A_235 : vector<16xf32>
      %parallel_loop3A_237 = arith.index_cast %parallel_loop3A_229 : i32 to index
      %parallel_loop3A_238 = tpu.vector_load %arg11[%parallel_loop3A_237] {strides = array<i32>} : memref<10000xf32, #tpu.memory_space<vmem>>, vector<16xf32>,
      tpu.vector_store %arg11[%parallel_loop3A_237], %parallel_loop3A_236 {strides = array<i32>} : memref<10000xf32, #tpu.memory_space<vmem>>, vector<16xf32>,
    } {sc.loop_unroll_factor = 5 : i64, sc.parallel_access}
    %add3A_97 = arith.constant 0 : i32
    %add3A_98 = arith.addi %mul3A_2, %add3A_97 : i32
    %dma_start3A_99 = arith.constant 0 : i32
    %dma_start3A_100 = tpu.memref_slice %arg11[%dma_start3A_99] : memref<10000xf32, #tpu.memory_space<vmem>> -> memref<2000xf32, #tpu.memory_space<vmem>>
    %dma_start3A_101 = tpu.memref_slice %arg6[%add3A_98] : memref<320000xf32, #tpu.memory_space<hbm>> -> memref<2000xf32, #tpu.memory_space<hbm>>
    %dma_start3A_102 = tpu.memref_slice %arg6[%add3A_98] : memref<320000xf32, #tpu.memory_space<hbm>> -> memref<2000xf32, #tpu.memory_space<hbm>>
    %dma_start3A_103 = arith.constant 0 : i32
    %dma_start3A_104 = tpu.memref_slice %arg11[%dma_start3A_103] : memref<10000xf32, #tpu.memory_space<vmem>> -> memref<2000xf32, #tpu.memory_space<vmem>>
    tpu.enqueue_dma source(%dma_start3A_104 : memref<2000xf32, #tpu.memory_space<vmem>>) target(%dma_start3A_102 : memref<2000xf32, #tpu.memory_space<hbm>>) target_semaphore(%arg15 : memref<!tpu.dma_semaphore, #tpu.memory_space<semaphore_mem>>)
    %dma_wait3A_105 = arith.constant 2000 : i32
    %dma_wait3A_106 = tpu.memref_slice %arg7[%dma_wait3A_105] : memref<10000xi32, #tpu.memory_space<vmem>> -> memref<2000xi32, #tpu.memory_space<vmem>>
    %dma_wait3A_107 = tpu.memref_slice %arg4[%add3A_21] : memref<320000xi32, #tpu.memory_space<hbm>> -> memref<2000xi32, #tpu.memory_space<hbm>>
    %dma_wait3A_108 = arith.constant 2000 : i32
    %dma_wait3A_109 = tpu.memref_slice %arg7[%dma_wait3A_108] : memref<10000xi32, #tpu.memory_space<vmem>> -> memref<2000xi32, #tpu.memory_space<vmem>>
    %dma_wait3A_110 = tpu.memref_slice %arg4[%add3A_21] : memref<320000xi32, #tpu.memory_space<hbm>> -> memref<2000xi32, #tpu.memory_space<hbm>>
    tpu.wait_dma2 semaphore(%arg17 : memref<!tpu.dma_semaphore, #tpu.memory_space<semaphore_mem>>) src(%dma_wait3A_110 : memref<2000xi32, #tpu.memory_space<hbm>>) dst(%dma_wait3A_109 : memref<2000xi32, #tpu.memory_space<vmem>>)
    %dma_wait3A_111 = arith.constant 2000 : i32
    %dma_wait3A_112 = tpu.memref_slice %arg8[%dma_wait3A_111] : memref<10000xi32, #tpu.memory_space<vmem>> -> memref<2000xi32, #tpu.memory_space<vmem>>
    %dma_wait3A_113 = tpu.memref_slice %arg5[%add3A_29] : memref<320000xi32, #tpu.memory_space<hbm>> -> memref<2000xi32, #tpu.memory_space<hbm>>
    %dma_wait3A_114 = arith.constant 2000 : i32
    %dma_wait3A_115 = tpu.memref_slice %arg8[%dma_wait3A_114] : memref<10000xi32, #tpu.memory_space<vmem>> -> memref<2000xi32, #tpu.memory_space<vmem>>
    %dma_wait3A_116 = tpu.memref_slice %arg5[%add3A_29] : memref<320000xi32, #tpu.memory_space<hbm>> -> memref<2000xi32, #tpu.memory_space<hbm>>
    tpu.wait_dma2 semaphore(%arg17 : memref<!tpu.dma_semaphore, #tpu.memory_space<semaphore_mem>>) src(%dma_wait3A_116 : memref<2000xi32, #tpu.memory_space<hbm>>) dst(%dma_wait3A_115 : memref<2000xi32, #tpu.memory_space<vmem>>)
    %parallel_loop3A_117 = arith.constant 125 : i32
    %parallel_loop3A_118 = arith.constant 250 : i32
    %parallel_loop3A_119 = arith.constant 1 : i32
    scf.for %parallel_loop3A_227 = %parallel_loop3A_117 to %parallel_loop3A_118 step %parallel_loop3A_119  : i32 {
      %parallel_loop3A_228 = arith.constant 16 : i32
      %parallel_loop3A_229 = arith.muli %parallel_loop3A_227, %parallel_loop3A_228 : i32
      %parallel_loop3A_230 = arith.index_cast %parallel_loop3A_229 : i32 to index
      %parallel_loop3A_231 = tpu.vector_load %arg7[%parallel_loop3A_230] {strides = array<i32>} : memref<10000xi32, #tpu.memory_space<vmem>>, vector<16xi32>,
      %parallel_loop3A_232 = tpu.vector_load_idx %arg9[%parallel_loop3A_231] : memref<10240xf32, #tpu.memory_space<vmem>>[vector<16xi32>], vector<16xf32>,
      %parallel_loop3A_233 = arith.index_cast %parallel_loop3A_229 : i32 to index
      %parallel_loop3A_234 = tpu.vector_load %arg8[%parallel_loop3A_233] {strides = array<i32>} : memref<10000xi32, #tpu.memory_space<vmem>>, vector<16xi32>,
      %parallel_loop3A_235 = tpu.vector_load_idx %arg10[%parallel_loop3A_234] : memref<10240xf32, #tpu.memory_space<vmem>>[vector<16xi32>], vector<16xf32>,
      %parallel_loop3A_236 = arith.addf %parallel_loop3A_232, %parallel_loop3A_235 : vector<16xf32>
      %parallel_loop3A_237 = arith.index_cast %parallel_loop3A_229 : i32 to index
      %parallel_loop3A_238 = tpu.vector_load %arg11[%parallel_loop3A_237] {strides = array<i32>} : memref<10000xf32, #tpu.memory_space<vmem>>, vector<16xf32>,
      tpu.vector_store %arg11[%parallel_loop3A_237], %parallel_loop3A_236 {strides = array<i32>} : memref<10000xf32, #tpu.memory_space<vmem>>, vector<16xf32>,
    } {sc.loop_unroll_factor = 5 : i64, sc.parallel_access}
    %add3A_120 = arith.constant 2000 : i32
    %add3A_121 = arith.addi %mul3A_2, %add3A_120 : i32
    %dma_start3A_122 = arith.constant 2000 : i32
    %dma_start3A_123 = tpu.memref_slice %arg11[%dma_start3A_122] : memref<10000xf32, #tpu.memory_space<vmem>> -> memref<2000xf32, #tpu.memory_space<vmem>>
    %dma_start3A_124 = tpu.memref_slice %arg6[%add3A_121] : memref<320000xf32, #tpu.memory_space<hbm>> -> memref<2000xf32, #tpu.memory_space<hbm>>
    %dma_start3A_125 = tpu.memref_slice %arg6[%add3A_121] : memref<320000xf32, #tpu.memory_space<hbm>> -> memref<2000xf32, #tpu.memory_space<hbm>>
    %dma_start3A_126 = arith.constant 2000 : i32
    %dma_start3A_127 = tpu.memref_slice %arg11[%dma_start3A_126] : memref<10000xf32, #tpu.memory_space<vmem>> -> memref<2000xf32, #tpu.memory_space<vmem>>
    tpu.enqueue_dma source(%dma_start3A_127 : memref<2000xf32, #tpu.memory_space<vmem>>) target(%dma_start3A_125 : memref<2000xf32, #tpu.memory_space<hbm>>) target_semaphore(%arg15 : memref<!tpu.dma_semaphore, #tpu.memory_space<semaphore_mem>>)
    %dma_wait3A_128 = arith.constant 4000 : i32
    %dma_wait3A_129 = tpu.memref_slice %arg7[%dma_wait3A_128] : memref<10000xi32, #tpu.memory_space<vmem>> -> memref<2000xi32, #tpu.memory_space<vmem>>
    %dma_wait3A_130 = tpu.memref_slice %arg4[%add3A_37] : memref<320000xi32, #tpu.memory_space<hbm>> -> memref<2000xi32, #tpu.memory_space<hbm>>
    %dma_wait3A_131 = arith.constant 4000 : i32
    %dma_wait3A_132 = tpu.memref_slice %arg7[%dma_wait3A_131] : memref<10000xi32, #tpu.memory_space<vmem>> -> memref<2000xi32, #tpu.memory_space<vmem>>
    %dma_wait3A_133 = tpu.memref_slice %arg4[%add3A_37] : memref<320000xi32, #tpu.memory_space<hbm>> -> memref<2000xi32, #tpu.memory_space<hbm>>
    tpu.wait_dma2 semaphore(%arg18 : memref<!tpu.dma_semaphore, #tpu.memory_space<semaphore_mem>>) src(%dma_wait3A_133 : memref<2000xi32, #tpu.memory_space<hbm>>) dst(%dma_wait3A_132 : memref<2000xi32, #tpu.memory_space<vmem>>)
    %dma_wait3A_134 = arith.constant 4000 : i32
    %dma_wait3A_135 = tpu.memref_slice %arg8[%dma_wait3A_134] : memref<10000xi32, #tpu.memory_space<vmem>> -> memref<2000xi32, #tpu.memory_space<vmem>>
    %dma_wait3A_136 = tpu.memref_slice %arg5[%add3A_45] : memref<320000xi32, #tpu.memory_space<hbm>> -> memref<2000xi32, #tpu.memory_space<hbm>>
    %dma_wait3A_137 = arith.constant 4000 : i32
    %dma_wait3A_138 = tpu.memref_slice %arg8[%dma_wait3A_137] : memref<10000xi32, #tpu.memory_space<vmem>> -> memref<2000xi32, #tpu.memory_space<vmem>>
    %dma_wait3A_139 = tpu.memref_slice %arg5[%add3A_45] : memref<320000xi32, #tpu.memory_space<hbm>> -> memref<2000xi32, #tpu.memory_space<hbm>>
    tpu.wait_dma2 semaphore(%arg18 : memref<!tpu.dma_semaphore, #tpu.memory_space<semaphore_mem>>) src(%dma_wait3A_139 : memref<2000xi32, #tpu.memory_space<hbm>>) dst(%dma_wait3A_138 : memref<2000xi32, #tpu.memory_space<vmem>>)
    %parallel_loop3A_140 = arith.constant 250 : i32
    %parallel_loop3A_141 = arith.constant 375 : i32
    %parallel_loop3A_142 = arith.constant 1 : i32
    scf.for %parallel_loop3A_227 = %parallel_loop3A_140 to %parallel_loop3A_141 step %parallel_loop3A_142  : i32 {
      %parallel_loop3A_228 = arith.constant 16 : i32
      %parallel_loop3A_229 = arith.muli %parallel_loop3A_227, %parallel_loop3A_228 : i32
      %parallel_loop3A_230 = arith.index_cast %parallel_loop3A_229 : i32 to index
      %parallel_loop3A_231 = tpu.vector_load %arg7[%parallel_loop3A_230] {strides = array<i32>} : memref<10000xi32, #tpu.memory_space<vmem>>, vector<16xi32>,
      %parallel_loop3A_232 = tpu.vector_load_idx %arg9[%parallel_loop3A_231] : memref<10240xf32, #tpu.memory_space<vmem>>[vector<16xi32>], vector<16xf32>,
      %parallel_loop3A_233 = arith.index_cast %parallel_loop3A_229 : i32 to index
      %parallel_loop3A_234 = tpu.vector_load %arg8[%parallel_loop3A_233] {strides = array<i32>} : memref<10000xi32, #tpu.memory_space<vmem>>, vector<16xi32>,
      %parallel_loop3A_235 = tpu.vector_load_idx %arg10[%parallel_loop3A_234] : memref<10240xf32, #tpu.memory_space<vmem>>[vector<16xi32>], vector<16xf32>,
      %parallel_loop3A_236 = arith.addf %parallel_loop3A_232, %parallel_loop3A_235 : vector<16xf32>
      %parallel_loop3A_237 = arith.index_cast %parallel_loop3A_229 : i32 to index
      %parallel_loop3A_238 = tpu.vector_load %arg11[%parallel_loop3A_237] {strides = array<i32>} : memref<10000xf32, #tpu.memory_space<vmem>>, vector<16xf32>,
      tpu.vector_store %arg11[%parallel_loop3A_237], %parallel_loop3A_236 {strides = array<i32>} : memref<10000xf32, #tpu.memory_space<vmem>>, vector<16xf32>,
    } {sc.loop_unroll_factor = 5 : i64, sc.parallel_access}
    %add3A_143 = arith.constant 4000 : i32
    %add3A_144 = arith.addi %mul3A_2, %add3A_143 : i32
    %dma_start3A_145 = arith.constant 4000 : i32
    %dma_start3A_146 = tpu.memref_slice %arg11[%dma_start3A_145] : memref<10000xf32, #tpu.memory_space<vmem>> -> memref<2000xf32, #tpu.memory_space<vmem>>
    %dma_start3A_147 = tpu.memref_slice %arg6[%add3A_144] : memref<320000xf32, #tpu.memory_space<hbm>> -> memref<2000xf32, #tpu.memory_space<hbm>>
    %dma_start3A_148 = tpu.memref_slice %arg6[%add3A_144] : memref<320000xf32, #tpu.memory_space<hbm>> -> memref<2000xf32, #tpu.memory_space<hbm>>
    %dma_start3A_149 = arith.constant 4000 : i32
    %dma_start3A_150 = tpu.memref_slice %arg11[%dma_start3A_149] : memref<10000xf32, #tpu.memory_space<vmem>> -> memref<2000xf32, #tpu.memory_space<vmem>>
    tpu.enqueue_dma source(%dma_start3A_150 : memref<2000xf32, #tpu.memory_space<vmem>>) target(%dma_start3A_148 : memref<2000xf32, #tpu.memory_space<hbm>>) target_semaphore(%arg15 : memref<!tpu.dma_semaphore, #tpu.memory_space<semaphore_mem>>)
    %dma_wait3A_151 = arith.constant 6000 : i32
    %dma_wait3A_152 = tpu.memref_slice %arg7[%dma_wait3A_151] : memref<10000xi32, #tpu.memory_space<vmem>> -> memref<2000xi32, #tpu.memory_space<vmem>>
    %dma_wait3A_153 = tpu.memref_slice %arg4[%add3A_53] : memref<320000xi32, #tpu.memory_space<hbm>> -> memref<2000xi32, #tpu.memory_space<hbm>>
    %dma_wait3A_154 = arith.constant 6000 : i32
    %dma_wait3A_155 = tpu.memref_slice %arg7[%dma_wait3A_154] : memref<10000xi32, #tpu.memory_space<vmem>> -> memref<2000xi32, #tpu.memory_space<vmem>>
    %dma_wait3A_156 = tpu.memref_slice %arg4[%add3A_53] : memref<320000xi32, #tpu.memory_space<hbm>> -> memref<2000xi32, #tpu.memory_space<hbm>>
    tpu.wait_dma2 semaphore(%arg19 : memref<!tpu.dma_semaphore, #tpu.memory_space<semaphore_mem>>) src(%dma_wait3A_156 : memref<2000xi32, #tpu.memory_space<hbm>>) dst(%dma_wait3A_155 : memref<2000xi32, #tpu.memory_space<vmem>>)
    %dma_wait3A_157 = arith.constant 6000 : i32
    %dma_wait3A_158 = tpu.memref_slice %arg8[%dma_wait3A_157] : memref<10000xi32, #tpu.memory_space<vmem>> -> memref<2000xi32, #tpu.memory_space<vmem>>
    %dma_wait3A_159 = tpu.memref_slice %arg5[%add3A_61] : memref<320000xi32, #tpu.memory_space<hbm>> -> memref<2000xi32, #tpu.memory_space<hbm>>
    %dma_wait3A_160 = arith.constant 6000 : i32
    %dma_wait3A_161 = tpu.memref_slice %arg8[%dma_wait3A_160] : memref<10000xi32, #tpu.memory_space<vmem>> -> memref<2000xi32, #tpu.memory_space<vmem>>
    %dma_wait3A_162 = tpu.memref_slice %arg5[%add3A_61] : memref<320000xi32, #tpu.memory_space<hbm>> -> memref<2000xi32, #tpu.memory_space<hbm>>
    tpu.wait_dma2 semaphore(%arg19 : memref<!tpu.dma_semaphore, #tpu.memory_space<semaphore_mem>>) src(%dma_wait3A_162 : memref<2000xi32, #tpu.memory_space<hbm>>) dst(%dma_wait3A_161 : memref<2000xi32, #tpu.memory_space<vmem>>)
    %parallel_loop3A_163 = arith.constant 375 : i32
    %parallel_loop3A_164 = arith.constant 500 : i32
    %parallel_loop3A_165 = arith.constant 1 : i32
    scf.for %parallel_loop3A_227 = %parallel_loop3A_163 to %parallel_loop3A_164 step %parallel_loop3A_165  : i32 {
      %parallel_loop3A_228 = arith.constant 16 : i32
      %parallel_loop3A_229 = arith.muli %parallel_loop3A_227, %parallel_loop3A_228 : i32
      %parallel_loop3A_230 = arith.index_cast %parallel_loop3A_229 : i32 to index
      %parallel_loop3A_231 = tpu.vector_load %arg7[%parallel_loop3A_230] {strides = array<i32>} : memref<10000xi32, #tpu.memory_space<vmem>>, vector<16xi32>,
      %parallel_loop3A_232 = tpu.vector_load_idx %arg9[%parallel_loop3A_231] : memref<10240xf32, #tpu.memory_space<vmem>>[vector<16xi32>], vector<16xf32>,
      %parallel_loop3A_233 = arith.index_cast %parallel_loop3A_229 : i32 to index
      %parallel_loop3A_234 = tpu.vector_load %arg8[%parallel_loop3A_233] {strides = array<i32>} : memref<10000xi32, #tpu.memory_space<vmem>>, vector<16xi32>,
      %parallel_loop3A_235 = tpu.vector_load_idx %arg10[%parallel_loop3A_234] : memref<10240xf32, #tpu.memory_space<vmem>>[vector<16xi32>], vector<16xf32>,
      %parallel_loop3A_236 = arith.addf %parallel_loop3A_232, %parallel_loop3A_235 : vector<16xf32>
      %parallel_loop3A_237 = arith.index_cast %parallel_loop3A_229 : i32 to index
      %parallel_loop3A_238 = tpu.vector_load %arg11[%parallel_loop3A_237] {strides = array<i32>} : memref<10000xf32, #tpu.memory_space<vmem>>, vector<16xf32>,
      tpu.vector_store %arg11[%parallel_loop3A_237], %parallel_loop3A_236 {strides = array<i32>} : memref<10000xf32, #tpu.memory_space<vmem>>, vector<16xf32>,
    } {sc.loop_unroll_factor = 5 : i64, sc.parallel_access}
    %add3A_166 = arith.constant 6000 : i32
    %add3A_167 = arith.addi %mul3A_2, %add3A_166 : i32
    %dma_start3A_168 = arith.constant 6000 : i32
    %dma_start3A_169 = tpu.memref_slice %arg11[%dma_start3A_168] : memref<10000xf32, #tpu.memory_space<vmem>> -> memref<2000xf32, #tpu.memory_space<vmem>>
    %dma_start3A_170 = tpu.memref_slice %arg6[%add3A_167] : memref<320000xf32, #tpu.memory_space<hbm>> -> memref<2000xf32, #tpu.memory_space<hbm>>
    %dma_start3A_171 = tpu.memref_slice %arg6[%add3A_167] : memref<320000xf32, #tpu.memory_space<hbm>> -> memref<2000xf32, #tpu.memory_space<hbm>>
    %dma_start3A_172 = arith.constant 6000 : i32
    %dma_start3A_173 = tpu.memref_slice %arg11[%dma_start3A_172] : memref<10000xf32, #tpu.memory_space<vmem>> -> memref<2000xf32, #tpu.memory_space<vmem>>
    tpu.enqueue_dma source(%dma_start3A_173 : memref<2000xf32, #tpu.memory_space<vmem>>) target(%dma_start3A_171 : memref<2000xf32, #tpu.memory_space<hbm>>) target_semaphore(%arg15 : memref<!tpu.dma_semaphore, #tpu.memory_space<semaphore_mem>>)
    %dma_wait3A_174 = arith.constant 8000 : i32
    %dma_wait3A_175 = tpu.memref_slice %arg7[%dma_wait3A_174] : memref<10000xi32, #tpu.memory_space<vmem>> -> memref<2000xi32, #tpu.memory_space<vmem>>
    %dma_wait3A_176 = tpu.memref_slice %arg4[%add3A_69] : memref<320000xi32, #tpu.memory_space<hbm>> -> memref<2000xi32, #tpu.memory_space<hbm>>
    %dma_wait3A_177 = arith.constant 8000 : i32
    %dma_wait3A_178 = tpu.memref_slice %arg7[%dma_wait3A_177] : memref<10000xi32, #tpu.memory_space<vmem>> -> memref<2000xi32, #tpu.memory_space<vmem>>
    %dma_wait3A_179 = tpu.memref_slice %arg4[%add3A_69] : memref<320000xi32, #tpu.memory_space<hbm>> -> memref<2000xi32, #tpu.memory_space<hbm>>
    tpu.wait_dma2 semaphore(%arg20 : memref<!tpu.dma_semaphore, #tpu.memory_space<semaphore_mem>>) src(%dma_wait3A_179 : memref<2000xi32, #tpu.memory_space<hbm>>) dst(%dma_wait3A_178 : memref<2000xi32, #tpu.memory_space<vmem>>)
    %dma_wait3A_180 = arith.constant 8000 : i32
    %dma_wait3A_181 = tpu.memref_slice %arg8[%dma_wait3A_180] : memref<10000xi32, #tpu.memory_space<vmem>> -> memref<2000xi32, #tpu.memory_space<vmem>>
    %dma_wait3A_182 = tpu.memref_slice %arg5[%add3A_77] : memref<320000xi32, #tpu.memory_space<hbm>> -> memref<2000xi32, #tpu.memory_space<hbm>>
    %dma_wait3A_183 = arith.constant 8000 : i32
    %dma_wait3A_184 = tpu.memref_slice %arg8[%dma_wait3A_183] : memref<10000xi32, #tpu.memory_space<vmem>> -> memref<2000xi32, #tpu.memory_space<vmem>>
    %dma_wait3A_185 = tpu.memref_slice %arg5[%add3A_77] : memref<320000xi32, #tpu.memory_space<hbm>> -> memref<2000xi32, #tpu.memory_space<hbm>>
    tpu.wait_dma2 semaphore(%arg20 : memref<!tpu.dma_semaphore, #tpu.memory_space<semaphore_mem>>) src(%dma_wait3A_185 : memref<2000xi32, #tpu.memory_space<hbm>>) dst(%dma_wait3A_184 : memref<2000xi32, #tpu.memory_space<vmem>>)
    %parallel_loop3A_186 = arith.constant 500 : i32
    %parallel_loop3A_187 = arith.constant 625 : i32
    %parallel_loop3A_188 = arith.constant 1 : i32
    scf.for %parallel_loop3A_227 = %parallel_loop3A_186 to %parallel_loop3A_187 step %parallel_loop3A_188  : i32 {
      %parallel_loop3A_228 = arith.constant 16 : i32
      %parallel_loop3A_229 = arith.muli %parallel_loop3A_227, %parallel_loop3A_228 : i32
      %parallel_loop3A_230 = arith.index_cast %parallel_loop3A_229 : i32 to index
      %parallel_loop3A_231 = tpu.vector_load %arg7[%parallel_loop3A_230] {strides = array<i32>} : memref<10000xi32, #tpu.memory_space<vmem>>, vector<16xi32>,
      %parallel_loop3A_232 = tpu.vector_load_idx %arg9[%parallel_loop3A_231] : memref<10240xf32, #tpu.memory_space<vmem>>[vector<16xi32>], vector<16xf32>,
      %parallel_loop3A_233 = arith.index_cast %parallel_loop3A_229 : i32 to index
      %parallel_loop3A_234 = tpu.vector_load %arg8[%parallel_loop3A_233] {strides = array<i32>} : memref<10000xi32, #tpu.memory_space<vmem>>, vector<16xi32>,
      %parallel_loop3A_235 = tpu.vector_load_idx %arg10[%parallel_loop3A_234] : memref<10240xf32, #tpu.memory_space<vmem>>[vector<16xi32>], vector<16xf32>,
      %parallel_loop3A_236 = arith.addf %parallel_loop3A_232, %parallel_loop3A_235 : vector<16xf32>
      %parallel_loop3A_237 = arith.index_cast %parallel_loop3A_229 : i32 to index
      %parallel_loop3A_238 = tpu.vector_load %arg11[%parallel_loop3A_237] {strides = array<i32>} : memref<10000xf32, #tpu.memory_space<vmem>>, vector<16xf32>,
      tpu.vector_store %arg11[%parallel_loop3A_237], %parallel_loop3A_236 {strides = array<i32>} : memref<10000xf32, #tpu.memory_space<vmem>>, vector<16xf32>,
    } {sc.loop_unroll_factor = 5 : i64, sc.parallel_access}
    %add3A_189 = arith.constant 8000 : i32
    %add3A_190 = arith.addi %mul3A_2, %add3A_189 : i32
    %dma_start3A_191 = arith.constant 8000 : i32
    %dma_start3A_192 = tpu.memref_slice %arg11[%dma_start3A_191] : memref<10000xf32, #tpu.memory_space<vmem>> -> memref<2000xf32, #tpu.memory_space<vmem>>
    %dma_start3A_193 = tpu.memref_slice %arg6[%add3A_190] : memref<320000xf32, #tpu.memory_space<hbm>> -> memref<2000xf32, #tpu.memory_space<hbm>>
    %dma_start3A_194 = tpu.memref_slice %arg6[%add3A_190] : memref<320000xf32, #tpu.memory_space<hbm>> -> memref<2000xf32, #tpu.memory_space<hbm>>
    %dma_start3A_195 = arith.constant 8000 : i32
    %dma_start3A_196 = tpu.memref_slice %arg11[%dma_start3A_195] : memref<10000xf32, #tpu.memory_space<vmem>> -> memref<2000xf32, #tpu.memory_space<vmem>>
    tpu.enqueue_dma source(%dma_start3A_196 : memref<2000xf32, #tpu.memory_space<vmem>>) target(%dma_start3A_194 : memref<2000xf32, #tpu.memory_space<hbm>>) target_semaphore(%arg15 : memref<!tpu.dma_semaphore, #tpu.memory_space<semaphore_mem>>)
    %dma_wait3A_197 = arith.constant 0 : i32
    %dma_wait3A_198 = tpu.memref_slice %arg11[%dma_wait3A_197] : memref<10000xf32, #tpu.memory_space<vmem>> -> memref<2000xf32, #tpu.memory_space<vmem>>
    %dma_wait3A_199 = tpu.memref_slice %arg6[%add3A_98] : memref<320000xf32, #tpu.memory_space<hbm>> -> memref<2000xf32, #tpu.memory_space<hbm>>
    %dma_wait3A_200 = tpu.memref_slice %arg6[%add3A_98] : memref<320000xf32, #tpu.memory_space<hbm>> -> memref<2000xf32, #tpu.memory_space<hbm>>
    %dma_wait3A_201 = arith.constant 0 : i32
    %dma_wait3A_202 = tpu.memref_slice %arg11[%dma_wait3A_201] : memref<10000xf32, #tpu.memory_space<vmem>> -> memref<2000xf32, #tpu.memory_space<vmem>>
    tpu.wait_dma2 semaphore(%arg15 : memref<!tpu.dma_semaphore, #tpu.memory_space<semaphore_mem>>) src(%dma_wait3A_202 : memref<2000xf32, #tpu.memory_space<vmem>>) dst(%dma_wait3A_200 : memref<2000xf32, #tpu.memory_space<hbm>>)
    %dma_wait3A_203 = arith.constant 2000 : i32
    %dma_wait3A_204 = tpu.memref_slice %arg11[%dma_wait3A_203] : memref<10000xf32, #tpu.memory_space<vmem>> -> memref<2000xf32, #tpu.memory_space<vmem>>
    %dma_wait3A_205 = tpu.memref_slice %arg6[%add3A_121] : memref<320000xf32, #tpu.memory_space<hbm>> -> memref<2000xf32, #tpu.memory_space<hbm>>
    %dma_wait3A_206 = tpu.memref_slice %arg6[%add3A_121] : memref<320000xf32, #tpu.memory_space<hbm>> -> memref<2000xf32, #tpu.memory_space<hbm>>
    %dma_wait3A_207 = arith.constant 2000 : i32
    %dma_wait3A_208 = tpu.memref_slice %arg11[%dma_wait3A_207] : memref<10000xf32, #tpu.memory_space<vmem>> -> memref<2000xf32, #tpu.memory_space<vmem>>
    tpu.wait_dma2 semaphore(%arg15 : memref<!tpu.dma_semaphore, #tpu.memory_space<semaphore_mem>>) src(%dma_wait3A_208 : memref<2000xf32, #tpu.memory_space<vmem>>) dst(%dma_wait3A_206 : memref<2000xf32, #tpu.memory_space<hbm>>)
    %dma_wait3A_209 = arith.constant 4000 : i32
    %dma_wait3A_210 = tpu.memref_slice %arg11[%dma_wait3A_209] : memref<10000xf32, #tpu.memory_space<vmem>> -> memref<2000xf32, #tpu.memory_space<vmem>>
    %dma_wait3A_211 = tpu.memref_slice %arg6[%add3A_144] : memref<320000xf32, #tpu.memory_space<hbm>> -> memref<2000xf32, #tpu.memory_space<hbm>>
    %dma_wait3A_212 = tpu.memref_slice %arg6[%add3A_144] : memref<320000xf32, #tpu.memory_space<hbm>> -> memref<2000xf32, #tpu.memory_space<hbm>>
    %dma_wait3A_213 = arith.constant 4000 : i32
    %dma_wait3A_214 = tpu.memref_slice %arg11[%dma_wait3A_213] : memref<10000xf32, #tpu.memory_space<vmem>> -> memref<2000xf32, #tpu.memory_space<vmem>>
    tpu.wait_dma2 semaphore(%arg15 : memref<!tpu.dma_semaphore, #tpu.memory_space<semaphore_mem>>) src(%dma_wait3A_214 : memref<2000xf32, #tpu.memory_space<vmem>>) dst(%dma_wait3A_212 : memref<2000xf32, #tpu.memory_space<hbm>>)
    %dma_wait3A_215 = arith.constant 6000 : i32
    %dma_wait3A_216 = tpu.memref_slice %arg11[%dma_wait3A_215] : memref<10000xf32, #tpu.memory_space<vmem>> -> memref<2000xf32, #tpu.memory_space<vmem>>
    %dma_wait3A_217 = tpu.memref_slice %arg6[%add3A_167] : memref<320000xf32, #tpu.memory_space<hbm>> -> memref<2000xf32, #tpu.memory_space<hbm>>
    %dma_wait3A_218 = tpu.memref_slice %arg6[%add3A_167] : memref<320000xf32, #tpu.memory_space<hbm>> -> memref<2000xf32, #tpu.memory_space<hbm>>
    %dma_wait3A_219 = arith.constant 6000 : i32
    %dma_wait3A_220 = tpu.memref_slice %arg11[%dma_wait3A_219] : memref<10000xf32, #tpu.memory_space<vmem>> -> memref<2000xf32, #tpu.memory_space<vmem>>
    tpu.wait_dma2 semaphore(%arg15 : memref<!tpu.dma_semaphore, #tpu.memory_space<semaphore_mem>>) src(%dma_wait3A_220 : memref<2000xf32, #tpu.memory_space<vmem>>) dst(%dma_wait3A_218 : memref<2000xf32, #tpu.memory_space<hbm>>)
    %dma_wait3A_221 = arith.constant 8000 : i32
    %dma_wait3A_222 = tpu.memref_slice %arg11[%dma_wait3A_221] : memref<10000xf32, #tpu.memory_space<vmem>> -> memref<2000xf32, #tpu.memory_space<vmem>>
    %dma_wait3A_223 = tpu.memref_slice %arg6[%add3A_190] : memref<320000xf32, #tpu.memory_space<hbm>> -> memref<2000xf32, #tpu.memory_space<hbm>>
    %dma_wait3A_224 = tpu.memref_slice %arg6[%add3A_190] : memref<320000xf32, #tpu.memory_space<hbm>> -> memref<2000xf32, #tpu.memory_space<hbm>>
    %dma_wait3A_225 = arith.constant 8000 : i32
    %dma_wait3A_226 = tpu.memref_slice %arg11[%dma_wait3A_225] : memref<10000xf32, #tpu.memory_space<vmem>> -> memref<2000xf32, #tpu.memory_space<vmem>>
    tpu.wait_dma2 semaphore(%arg15 : memref<!tpu.dma_semaphore, #tpu.memory_space<semaphore_mem>>) src(%dma_wait3A_226 : memref<2000xf32, #tpu.memory_space<vmem>>) dst(%dma_wait3A_224 : memref<2000xf32, #tpu.memory_space<hbm>>)
    return
  }
}

module attributes {stable_mosaic.version = 14 : i64} {
  func.func @_node_scores_body(%arg0: i32, %arg1: memref<2048x128xf32, #tpu.memory_space<vmem>>, %arg2: memref<2048x128xf32, #tpu.memory_space<vmem>>, %arg3: memref<1x256xf32, #tpu.memory_space<vmem>>, %arg4: memref<1x1xf32, #tpu.memory_space<vmem>>, %arg5: memref<10240xf32, #tpu.memory_space<vmem>>, %arg6: memref<10240xf32, #tpu.memory_space<vmem>>) attributes {dimension_semantics = [#tpu.dimension_semantics<arbitrary>], iteration_bounds = array<i64: 5>, scalar_prefetch = 0 : i64, scratch_operands = 0 : i64, tpu.core_type = #tpu.core_type<tc>, window_params = [{transform_indices = @transform_0, window_bounds = array<i64: 2048, 128>}, {transform_indices = @transform_1, window_bounds = array<i64: 2048, 128>}, {pipeline_mode = #tpu.pipeline_mode<synchronous>, transform_indices = @transform_2, window_bounds = array<i64: 1, 256>}, {pipeline_mode = #tpu.pipeline_mode<synchronous>, transform_indices = @transform_3, window_bounds = array<i64: 1, 1>}, {pipeline_mode = #tpu.pipeline_mode<synchronous>, transform_indices = @transform_4, window_bounds = array<i64: 10240>}, {pipeline_mode = #tpu.pipeline_mode<synchronous>, transform_indices = @transform_5, window_bounds = array<i64: 10240>}]} {
    %get3A = arith.constant 0 : index
    %get3A_0 = arith.constant 0 : index
    %get3A_1 = vector.load %arg3[%get3A, %get3A_0] : memref<1x256xf32, #tpu.memory_space<vmem>>, vector<1x128xf32>
    %get3A_2 = arith.constant 0 : index
    %get3A_3 = arith.constant 128 : index
    %get3A_4 = vector.load %arg3[%get3A_2, %get3A_3] : memref<1x256xf32, #tpu.memory_space<vmem>>, vector<1x128xf32>
    %get3A_5 = arith.constant 0 : index
    %get3A_6 = arith.constant 0 : index
    %get3A_7 = vector.load %arg1[%get3A_5, %get3A_6] : memref<2048x128xf32, #tpu.memory_space<vmem>>, vector<2048x128xf32>
    %dot_general3A = arith.constant dense<0.000000e+00> : vector<1x2048xf32>
    %dot_general3A_8 = tpu.matmul %get3A_1, %get3A_7, %dot_general3A {dimension_numbers = #tpu.dot_dimension_numbers<[1], [1], [0], [0], [0, 0, 1, 0], [], []>, transpose_lhs_hint = false} : vector<1x128xf32>, vector<2048x128xf32>, vector<1x2048xf32> -> vector<1x2048xf32>
    %get3A_9 = arith.constant 0 : index
    %get3A_10 = arith.constant 0 : index
    %get3A_11 = vector.load %arg2[%get3A_9, %get3A_10] : memref<2048x128xf32, #tpu.memory_space<vmem>>, vector<2048x128xf32>
    %dot_general3A_12 = arith.constant dense<0.000000e+00> : vector<1x2048xf32>
    %dot_general3A_13 = tpu.matmul %get3A_4, %get3A_11, %dot_general3A_12 {dimension_numbers = #tpu.dot_dimension_numbers<[1], [1], [0], [0], [0, 0, 1, 0], [], []>, transpose_lhs_hint = false} : vector<1x128xf32>, vector<2048x128xf32>, vector<1x2048xf32> -> vector<1x2048xf32>
    %mul3A = arith.constant 2048 : i32
    %mul3A_14 = arith.muli %arg0, %mul3A : i32
    %squeeze3A = vector.shape_cast %dot_general3A_8 : vector<1x2048xf32> to vector<2048xf32>
    %swap3A = arith.index_cast %mul3A_14 : i32 to index
    %swap3A_15 = vector.load %arg5[%swap3A] : memref<10240xf32, #tpu.memory_space<vmem>>, vector<2048xf32>
    tpu.vector_store %arg5[%swap3A], %squeeze3A {strides = array<i32>} : memref<10240xf32, #tpu.memory_space<vmem>>, vector<2048xf32>,
    %squeeze3A_16 = vector.shape_cast %dot_general3A_13 : vector<1x2048xf32> to vector<2048xf32>
    %get3A_17 = arith.constant 0 : index
    %get3A_18 = arith.constant 0 : index
    %get3A_19 = vector.load %arg4[%get3A_17, %get3A_18] : memref<1x1xf32, #tpu.memory_space<vmem>>, vector<1x1xf32>
    %get3A_20 = vector.extract %get3A_19[0, 0] : f32 from vector<1x1xf32>
    %add3A = vector.broadcast %get3A_20 : f32 to vector<2048xf32>
    %add3A_21 = arith.addf %squeeze3A_16, %add3A : vector<2048xf32>
    %swap3A_22 = arith.index_cast %mul3A_14 : i32 to index
    %swap3A_23 = vector.load %arg6[%swap3A_22] : memref<10240xf32, #tpu.memory_space<vmem>>, vector<2048xf32>
    tpu.vector_store %arg6[%swap3A_22], %add3A_21 {strides = array<i32>} : memref<10240xf32, #tpu.memory_space<vmem>>, vector<2048xf32>,
    return
  }
  func.func @transform_0(%arg0: i32) -> (i32, i32) {
    %c0_i32 = arith.constant 0 : i32
    %c0_i32_0 = arith.constant 0 : i32
    return %arg0, %c0_i32 : i32, i32
  }
  func.func @transform_1(%arg0: i32) -> (i32, i32) {
    %c0_i32 = arith.constant 0 : i32
    %c0_i32_0 = arith.constant 0 : i32
    return %arg0, %c0_i32 : i32, i32
  }
  func.func @transform_2(%arg0: i32) -> (i32, i32) {
    %c0_i32 = arith.constant 0 : i32
    %c0_i32_0 = arith.constant 0 : i32
    %c0_i32_1 = arith.constant 0 : i32
    return %c0_i32, %c0_i32_0 : i32, i32
  }
  func.func @transform_3(%arg0: i32) -> (i32, i32) {
    %c0_i32 = arith.constant 0 : i32
    %c0_i32_0 = arith.constant 0 : i32
    %c0_i32_1 = arith.constant 0 : i32
    return %c0_i32, %c0_i32_0 : i32, i32
  }
  func.func @transform_4(%arg0: i32) -> i32 {
    %c0_i32 = arith.constant 0 : i32
    %c0_i32_0 = arith.constant 0 : i32
    return %c0_i32 : i32
  }
  func.func @transform_5(%arg0: i32) -> i32 {
    %c0_i32 = arith.constant 0 : i32
    %c0_i32_0 = arith.constant 0 : i32
    return %c0_i32 : i32
  }
}

</mosaic_0001>

<sc_bundles>
// kernel: kernel.4.cloned.1.call-start
scs
__scs_entry_jumppad:
0x0: {  	(pc) =	sbr.rel $0x88, $3  }
0x1: {  	(tag) =	ssettag $0x0;
	lr =	simm.s32 $0x1  }
0x2: {  	[smem:$0x3F9B] =	sst lr;
	_ =	strace $0xD0000000  }
0x3: {  	_ = 	snop  }
0x4: {  	_ = 	snop  }
0x5: {  	_ = 	snop  }
0x6: {  	_ = 	snop  }
0x7: {  	_ = 	snop  }
__scs_overlays_trampoline_lowered:
0x8: {  	[smem:$0x3FAA] =	sst s0  }
0x9: {  	[smem:$0x3FAB] =	sst s1  }
0xa: {  	[smem:$0x3FAC] =	sst s2  }
0xb: {  	[smem:$0x3FAD] =	sst s3  }
0xc: {  	[smem:$0x3FAE] =	sst s4  }
0xd: {  	[smem:$0x3FAF] =	sst s5  }
0xe: {  	[smem:$0x3FB0] =	sst s6  }
0xf: {  	[smem:$0x3FB1] =	sst s7  }
0x10: {  	[smem:$0x3FB2] =	sst s8  }
0x11: {  	[smem:$0x3FB3] =	sst s9;
	s0 =	simm.s32 @!p0 $0x0  }
0x12: {  	s1 =	sld [smem:$0x3F99];
	s0 =	simm.s32 @p0 $0x1  }
0x13: {  	[smem:$0x3FB4] =	sst s0;
	s0 =	simm.s32 @!p1 $0x0  }
0x14: {  	s2 =	sld [smem:$0x3F98];
	s0 =	simm.s32 @p1 $0x1  }
0x15: {  	[smem:$0x3FB5] =	sst s0;
	s0 =	simm.s32 @!p2 $0x0  }
0x16: {  	s3 =	sld [smem:$0x3FDB];
	s0 =	simm.s32 @p2 $0x1  }
0x17: {  	s4 =	simm.s32 $0x1BF5;
	[smem:$0x3FB7] =	sst s0  }
0x18: {  	s0 =	sld [smem:$0x3F9A];
	_ =	swait.ge [sflag:s4], $0x0  }
0x19: {  	s7 =	sld [smem:$0x3F9B]  }
0x1a: {  	s8 =	sadd.s32 $0xFFFFE003, lr  }
0x1b: {  	s9 =	sadd.s32 $0xFFFFFEF7, lr;
	s5 =	simm.s32 $0xFFFFFFFF;
	p2 =	slt.u32 s8, $0xFFFFF086  }
0x1c: {  	p1 =	slt.u32 s9, $0xF7A;
	s5 =	simm.s32 @!p2 $0x0  }
0x1d: {  	s5 =	simm.s32 @p1 $0x1;
	p0 =	seq.s32 s7, s2  }
0x1e: {  	s7 =	smul.u32 @!p0 $0xF7A, s2;
	p2 =	seq.s32 @!p0 s5, $0x0  }
0x1f: {  	s9 =	smul.u32 $0xF7A, s1;
	s8 =	simm.s32 @!p0 $0x1BF5;
	p2 =	por !p2, p0  }
0x20: {  	[sflag:s8] =	ssyncset.s32 @!p0 $0xFFFFF086;
	s6 =	sadd.s32 @!p0 s3, s7;
	s7 =	simm.s32 @!p0 $0x108  }
0x21: {  	s3 =	sadd.s32 s3, s9;
	s6 =	sadd.s32 @!p0 $0x88, s6;
	s7 =	simm.s32 @p2 $0x1082  }
0x22: {  	[simem:s7], [sflag:s8] =	dma.local @!p0 [hbm:s6], $0xF7A  }
0x23: {  	s9 =	sor.u32 $0xD0000000, s2;
	s6 =	simm.s32 $0x108;
	_ =	swait.ge @!p0 [sflag:s8], $0x0  }
0x24: {  	s3 =	sadd.s32 $0x88, s3;
	s6 =	simm.s32 @!p1 $0x1082;
	[sflag:s4] =	ssyncset.s32 $0xFFFFF086  }
0x25: {  	[simem:s6], [sflag:s4] =	dma.local [hbm:s3], $0xF7A  }
0x26: {  	[smem:$0x3F9B] =	sst s1;
	(tag) =	ssettag s2;
	_ =	strace s9  }
0x27: {  	s1 =	sld [smem:$0x3FAB]  }
0x28: {  	s2 =	sld [smem:$0x3FAC]  }
0x29: {  	s4 =	sld [smem:$0x3FAE]  }
0x2a: {  	p0 =	seq.s32 s5, $0x0;
	s5 =	sld [smem:$0x3FAF]  }
0x2b: {  	s6 =	sld [smem:$0x3FB0]  }
0x2c: {  	s7 =	sld [smem:$0x3FB1]  }
0x2d: {  	s3 =	simm.s32 $0x108;
	s8 =	sld [smem:$0x3FB2]  }
0x2e: {  	s3 =	simm.s32 @!p0 $0x1082;
	s9 =	sld [smem:$0x3FB3]  }
0x2f: {  	lr =	sadd.s32 s0, s3;
	s0 =	sld [smem:$0x3FAA]  }
0x30: {  	s3 =	sld [smem:$0x3FAD]  }
0x31: {  	[smem:$0x3FB6] =	sst s10  }
0x32: {  	s10 =	sld [smem:$0x3FB4];
	_ =	sdelay $0x3  }
0x33: {  	p0 =	seq.s32 s10, $0x1;
	s10 =	sld [smem:$0x3FB6];
	_ =	sdelay $0x3  }
0x34: {  	[smem:$0x3FB6] =	sst s10  }
0x35: {  	s10 =	sld [smem:$0x3FB5];
	_ =	sdelay $0x3  }
0x36: {  	p1 =	seq.s32 s10, $0x1;
	s10 =	sld [smem:$0x3FB6];
	_ =	sdelay $0x3  }
0x37: {  	[smem:$0x3FB6] =	sst s10  }
0x38: {  	s10 =	sld [smem:$0x3FB7]  }
0x39: {  	_ = 	snop;
	(pc) =	sbr.ind lr, $3  }
0x3a: {  	_ = 	snop  }
0x3b: {  	_ = 	snop  }
0x3c: {  	p2 =	seq.s32 s10, $0x1;
	s10 =	sld [smem:$0x3FB6]  }
0x3d: {  	_ =	shalt  }
0x3e: {  	_ =	shalt  }
0x3f: {  	_ =	shalt  }
0x40: {  	_ =	shalt  }
0x41: {  	_ =	shalt  }
0x42: {  	_ =	shalt  }
0x43: {  	_ =	shalt  }
0x44: {  	_ =	shalt  }
0x45: {  	_ =	shalt  }
0x46: {  	_ =	shalt  }
0x47: {  	_ =	shalt  }
0x48: {  	_ =	shalt  }
0x49: {  	_ =	shalt  }
0x4a: {  	_ =	shalt  }
0x4b: {  	_ =	shalt  }
0x4c: {  	_ =	shalt  }
0x4d: {  	_ =	shalt  }
0x4e: {  	_ =	shalt  }
0x4f: {  	_ =	shalt  }
0x50: {  	_ =	shalt  }
0x51: {  	_ =	shalt  }
0x52: {  	_ =	shalt  }
0x53: {  	_ =	shalt  }
0x54: {  	_ =	shalt  }
0x55: {  	_ =	shalt  }
0x56: {  	_ =	shalt  }
0x57: {  	_ =	shalt  }
0x58: {  	_ =	shalt  }
0x59: {  	_ =	shalt  }
0x5a: {  	_ =	shalt  }
0x5b: {  	_ =	shalt  }
0x5c: {  	_ =	shalt  }
0x5d: {  	_ =	shalt  }
0x5e: {  	_ =	shalt  }
0x5f: {  	_ =	shalt  }
0x60: {  	_ =	shalt  }
0x61: {  	_ =	shalt  }
0x62: {  	_ =	shalt  }
0x63: {  	_ =	shalt  }
0x64: {  	_ =	shalt  }
0x65: {  	_ =	shalt  }
0x66: {  	_ =	shalt  }
0x67: {  	_ =	shalt  }
0x68: {  	_ =	shalt  }
0x69: {  	_ =	shalt  }
0x6a: {  	_ =	shalt  }
0x6b: {  	_ =	shalt  }
0x6c: {  	_ =	shalt  }
0x6d: {  	_ =	shalt  }
0x6e: {  	_ =	shalt  }
0x6f: {  	_ =	shalt  }
0x70: {  	_ =	shalt  }
0x71: {  	_ =	shalt  }
0x72: {  	_ =	shalt  }
0x73: {  	_ =	shalt  }
0x74: {  	_ =	shalt  }
0x75: {  	_ =	shalt  }
0x76: {  	_ =	shalt  }
0x77: {  	_ =	shalt  }
0x78: {  	_ =	shalt  }
0x79: {  	_ =	shalt  }
0x7a: {  	_ =	shalt  }
0x7b: {  	_ =	shalt  }
0x7c: {  	_ =	shalt  }
0x7d: {  	_ =	shalt  }
0x7e: {  	_ =	shalt  }
0x7f: {  	_ =	shalt  }
0x80: {  	_ =	shalt  }
0x81: {  	_ =	shalt  }
0x82: {  	_ =	shalt  }
0x83: {  	_ =	shalt  }
0x84: {  	_ =	shalt  }
0x85: {  	_ =	shalt  }
0x86: {  	_ =	shalt  }
0x87: {  	_ =	shalt  }
.Lfunc_end0:
.L_simem_size_0:
called_computation_lowered:
.L_overlay_start_0:
0x88: {  	s2 =	sld [smem:$0x3FD9]  }
0x89: {  	s3 =	sld [smem:$0x3FFE];
	_ =	sdelay $0x1  }
0x8a: {  	s1 =	srdreg.scid  }
0x8b: {  	s0 =	sand.u32 $0x1, s1  }
0x8c: {  	s17 =	sshll.u32 s0, $0xA;
	s2 =	sadd.s32 s3, s2  }
0x8d: {  	s2 =	sadd.s32 s2, s17  }
0x8e: {  	[smem:$0x3FC2] =	sst s2  }
0x8f: {  	_ = 	snop  }
0x90: {  	s2 =	sld [smem:$0x3FC7]  }
0x91: {  	s18 =	sld [smem:$0x3FC6]  }
0x92: {  	s4 =	sld [smem:$0x3FD0];
	(tm) =	ssettm $0x1  }
0x93: {  	s5 =	sld [smem:$0x3FFB];
	_ =	sdelay $0x3  }
0x94: {  	_ =	strace s5  }
0x95: {  	s5 =	sld [smem:$0x3FFC];
	_ =	sdelay $0x3  }
0x96: {  	_ =	strace s5  }
0x97: {  	s5 =	sld [smem:$0x3FFD];
	_ =	sdelay $0x3  }
0x98: {  	_ =	strace s5  }
0x99: {  	_ =	strace $0x8FFFFFFF  }
0x9a: {  	s19 =	sld [smem:$0x3FDB];
	_ =	sdelay $0x1  }
0x9b: {  	s6 =	simm.s32 $_scs_section_size  }
0x9c: {  	s7 =	simm.s32 $_size__tile_overlayer_lowered;
	s8 =	simm.s32 $_tile_overlayer_lowered  }
0x9d: {  	s22 =	simm.s32 $0x1BFF;
	s21 =	sshll.u32 s8, $0x1;
	s5 =	sadd.s32 s6, s19  }
0x9e: {  	s9 =	simm.s32 $0x0;
	s20 =	sshll.u32 s7, $0x1;
	s7 =	sadd.s32 s21, s5  }
0x9f: {  	[timem:s9], [sflag:s22] =	dma.local [hbm:s7], s20  }
0xa0: {  	_ =	swait.ge [sflag:s22], s20  }
0xa1: {  	s6 =	ssub.s32 $0x0, s20;
	[sflag:s22] =	ssyncset.done $0x0  }
0xa2: {  	[sflag:s22] =	ssyncadd.s32 s6;
	_ =	sdelay $0x1  }
0xa3: {  	s23 =	simm.s32 $0x1B8B  }
0xa4: {  	_ =	swait.ge [sflag:s23], $0x1  }
0xa5: {  	[sflag:s23] =	ssyncset.done $0x0  }
0xa6: {  	s25 =	simm.s32 $0x1B8E;
	s24 =	sld [smem:$0x3FFE];
	[sflag:s23] =	ssyncadd.s32 $0xFFFFFFFF  }
0xa7: {  	s26 =	simm.s32 $execute0_lowered;
	[smem:$0x3FD2] =	sst s25  }
0xa8: {  	s7 =	sshll.u32 s26, $0x1;
	_ =	strace $0x80000046;
	[dreg:$0x1] =	wrdreg $0xFFFFFFFF  }
0xa9: {  	s28 =	simm.s32 $_size_execute0_lowered;
	s5 =	sadd.s32 s5, s7;
	[dreg:$0x0] =	wrdreg $0x0  }
0xaa: {  	s7 =	sshll.u32 s28, $0x1;
	[dreg:$0x2] =	wrdreg s5  }
0xab: {  	[dreg:$0x3] =	wrdreg s7  }
0xac: {  	[dreg:$0x4] =	wrdreg $0xC0  }
0xad: {  	_ =	task [dreg:s9], $0x5FFFF  }
0xae: {  	[dreg:$0x1] =	wrdreg $0xFFFFFFFF  }
0xaf: {  	[dreg:$0x0] =	wrdreg $0x60  }
0xb0: {  	[dreg:$0x2] =	wrdreg s4  }
0xb1: {  	[dreg:$0x3] =	wrdreg s24  }
0xb2: {  	[dreg:$0x4] =	wrdreg s2  }
0xb3: {  	[dreg:$0x5] =	wrdreg s18  }
0xb4: {  	[dreg:$0x6] =	wrdreg $0xC5300  }
0xb5: {  	[dreg:$0x7] =	wrdreg $0xC7B00  }
0xb6: {  	[dreg:$0x8] =	wrdreg $0x9  }
0xb7: {  	_ =	task.clear_ibuf [dreg:s9], $0x9FFFF;
	_ =	strace $0x90000046  }
0xb8: {  	s29 =	simm.s32 $0x9;
	_ =	strace $0x80000048  }
0xb9: {  	_ =	swait.ge [sflag:s29], $0x1  }
0xba: {  	[sflag:s29] =	ssyncadd.s32 $0xFFFFFFFF  }
0xbb: {  	_ =	strace $0x90000048  }
0xbc: {  	_ =	sfence  }
0xbd: {  	s30 =	sld [smem:$0x0];
	_ =	sdelay $0x2  }
0xbe: {  	s31 =	sshll.u32 s1, $0xD;
	s1 =	sshrl.u32 s1, $0x2  }
0xbf: {  	s3 =	sand.u32 $0x4000, s31;
	s1 =	sadd.s32 s1, s30  }
0xc0: {  	s0 =	sor.u32 s3, s0;
	s1 =	sshll.u32 s1, $0x11  }
0xc1: {  	s0 =	sor.u32 s1, s0  }
0xc2: {  	s0 =	sadd.s32 $0x8F2B, s0  }
0xc3: {  	[sflag:s0] =	ssyncadd.remote.s32 $0x1  }
0xc4: {  	_ =	sfence.sel $0xFFFF  }
0xc5: {  	[dreg:$0x0] =	wrdreg $0xFFFFFFFF;
	(pc) =	sbr.abs _section_cstart, $3  }
0xc6: {  	[dreg:$0x1] =	wrdreg $0xFFFFFFFF  }
0xc7: {  	_ =	task.clear_ibuf [dreg:s9], $0x2FFFF;
	_ =	strace $0x9FFFFFFF  }
0xc8: {  	(tm) =	ssettm $0x7FFFFFFF  }
0xc9: {  	_ =	shalt  }
tec
execute0_lowered:
.L_overlay_start_1:
0x0: {  	(tag) =	ssettag $0x1  }
0x1: {  	s0 =	rddreg [dreg:$0x1]  }
0x2: {  	s1 =	rddreg [dreg:$0x2]  }
0x3: {  	s2 =	rddreg [dreg:$0x3]  }
0x4: {  	s3 =	srdreg.scid;
	s5 =	stileid.u32;
	s4 =	simm.s32 $0x0  }
0x5: {  	s22 =	simm.s32 $0x4E20;
	s23 =	simm.s32 $0x7620;
	s24 =	simm.s32 $0x1  }
0x6: {  	s25 =	simm.s32 $0x3;
	s28 =	simm.s32 $0x4;
	s30 =	simm.s32 $0x5  }
0x7: {  	s26 =	simm.s32 $0x7;
	s3 =	sand.u32 $0x1, s3;
	s6 =	sshll.u32 s5, $0x1  }
0x8: {  	s31 =	simm.s32 $0x2;
	[smem:$0x7FF] =	sst s4;
	s6 =	sor.u32 s3, s6  }
0x9: {  	s7 =	sadd.s32 $0x1000, s0;
	s3 =	ssub.s32 $0x2, s3;
	s6 =	smul.u32 $0x2710, s6  }
0xa: {  	s0 =	sadd.s32 $0x1600, s0;
	p0 =	sne.s32 s5, $0x0;
	s29 =	sshrl.u32 s3, $0x1  }
0xb: {  	_ =	strace $0x80000047;
	s3 =	ssub.s32 s3, s29;
	s16 =	sshrl.u32 s6, $0x3  }
0xc: {  	[dreg:$0x7] =	wrdreg s7;
	s21 =	smax.u32 s3, $0x1;
	s6 =	sadd.s32 s1, s16  }
0xd: {  	s7 =	sadd.s32 s2, s16;
	s17 =	sadd.s32 $0xFA, s16;
	s18 =	sadd.s32 $0x1F4, s16  }
0xe: {  	s19 =	sadd.s32 $0x2EE, s16;
	s20 =	sadd.s32 $0x3E8, s16;
	s16 =	sadd.s32 s0, s16  }
0xf: {  	[dreg:$0x8] =	wrdreg s6;
	s8 =	sadd.s32 s1, s17;
	s9 =	sadd.s32 s2, s17  }
0x10: {  	s10 =	sadd.s32 s1, s18;
	s11 =	sadd.s32 s2, s18;
	s12 =	sadd.s32 s1, s19  }
0x11: {  	s13 =	sadd.s32 s2, s19;
	s14 =	sadd.s32 s1, s20;
	s15 =	sadd.s32 s2, s20  }
0x12: {  	s17 =	sadd.s32 s0, s17;
	s18 =	sadd.s32 s0, s18;
	s19 =	sadd.s32 s0, s19  }
0x13: {  	s20 =	sadd.s32 s0, s20;
	s2 =	simm.s32 $0x6;
	s0 =	simm.s32 $0x0  }
.LBB2_1:
0x14: {  	s29 =	rddreg [dreg:$0x4]  }
0x15: {  	s3 =	simm.s32 @!p0 $0x1C01;
	s5 =	rddreg [dreg:$0x0];
	s1 =	sshrl.u32 @!p0 s29, $0x3  }
0x16: {  	[spmem:s1], [sflag:s3] =	dma.local @!p0 [hbm:s5], $0x500  }
0x17: {  	s5 =	rddreg [dreg:$0x5]  }
0x18: {  	s6 =	rddreg [dreg:$0x7];
	s1 =	sshrl.u32 @!p0 s5, $0x3  }
0x19: {  	[spmem:s1], [sflag:s3] =	dma.local @!p0 [hbm:s6], $0x500  }
0x1a: {  	s1 =	simm.s32 @!p0 $0x1  }
0x1b: {  	_ =	swait.ge @!p0 [sflag:s1], $0x500  }
0x1c: {  	[sflag:s1] =	ssyncset.done @!p0 $0x0  }
0x1d: {  	[sflag:s1] =	ssyncadd.s32 @!p0 $0xFFFFFB00  }
0x1e: {  	_ =	swait.ge @!p0 [sflag:s1], $0x500  }
0x1f: {  	[sflag:s1] =	ssyncset.done @!p0 $0x0  }
0x20: {  	[sflag:s1] =	ssyncadd.s32 @!p0 $0xFFFFFB00  }
0x21: {  	[bflag:$0x0] =	sbarrier.arrive $0xFFFF  }
0x22: {  	[tilespmem:s22], [sflag:$0x1] =	stream.linear.gather [spmem:s29], $0x2800, $0x38;
	[tilespmem:$0xCA30] =	vst v63  }
0x23: {  	_ = 	snop  }
0x24: {  	[tilespmem:s23], [sflag:$0x1] =	stream.linear.gather [spmem:s5], $0x2800, $0x38;
	[tilespmem:$0xCA30] =	vst v63  }
0x25: {  	s5 =	rddreg [dreg:$0x8]  }
0x26: {  	[tilespmem:s4], [sflag:$0x3] =	stream.linear.gather [hbm4b:s5+s4], $0x7D0, $0x38;
	[tilespmem:$0xCA30] =	vst v63  }
0x27: {  	s6 =	simm.s32 $0x2710  }
0x28: {  	[tilespmem:s6], [sflag:$0x3] =	stream.linear.gather [hbm4b:s7+s4], $0x7D0, $0x38;
	[tilespmem:$0xCA30] =	vst v63  }
0x29: {  	s3 =	simm.s32 $0x7D0  }
0x2a: {  	[tilespmem:s3], [sflag:$0x4] =	stream.linear.gather [hbm4b:s8+s4], $0x7D0, $0x38;
	[tilespmem:$0xCA30] =	vst v63  }
0x2b: {  	s5 =	simm.s32 $0x2EE0  }
0x2c: {  	[tilespmem:s5], [sflag:$0x4] =	stream.linear.gather [hbm4b:s9+s4], $0x7D0, $0x38;
	[tilespmem:$0xCA30] =	vst v63  }
0x2d: {  	s6 =	simm.s32 $0xFA0  }
0x2e: {  	[tilespmem:s6], [sflag:$0x5] =	stream.linear.gather [hbm4b:s10+s4], $0x7D0, $0x38;
	[tilespmem:$0xCA30] =	vst v63  }
0x2f: {  	s3 =	simm.s32 $0x36B0  }
0x30: {  	[tilespmem:s3], [sflag:$0x5] =	stream.linear.gather [hbm4b:s11+s4], $0x7D0, $0x38;
	[tilespmem:$0xCA30] =	vst v63  }
0x31: {  	s5 =	simm.s32 $0x1770  }
0x32: {  	[tilespmem:s5], [sflag:$0x6] =	stream.linear.gather [hbm4b:s12+s4], $0x7D0, $0x38;
	[tilespmem:$0xCA30] =	vst v63  }
0x33: {  	s6 =	simm.s32 $0x3E80  }
0x34: {  	[tilespmem:s6], [sflag:$0x6] =	stream.linear.gather [hbm4b:s13+s4], $0x7D0, $0x38;
	[tilespmem:$0xCA30] =	vst v63  }
0x35: {  	s3 =	simm.s32 $0x1F40  }
0x36: {  	[tilespmem:s3], [sflag:$0x7] =	stream.linear.gather [hbm4b:s14+s4], $0x7D0, $0x38;
	[tilespmem:$0xCA30] =	vst v63  }
0x37: {  	s5 =	simm.s32 $0x4650  }
0x38: {  	[tilespmem:s5], [sflag:$0x7] =	stream.linear.gather [hbm4b:s15+s4], $0x7D0, $0x38;
	[tilespmem:$0xCA30] =	vst v63  }
0x39: {  	_ =	swait.ge [sflag:s24], $0x2800  }
0x3a: {  	[sflag:s24] =	ssyncset.done $0x0  }
0x3b: {  	[sflag:s24] =	ssyncadd.s32 $0xFFFFD800  }
0x3c: {  	_ =	swait.ge [sflag:s24], $0x2800  }
0x3d: {  	[sflag:s24] =	ssyncset.done $0x0  }
0x3e: {  	[sflag:s24] =	ssyncadd.s32 $0xFFFFD800  }
0x3f: {  	_ =	swait.ge [sflag:s25], $0x7D0  }
0x40: {  	[sflag:s25] =	ssyncset.done $0x0  }
0x41: {  	[sflag:s25] =	ssyncadd.s32 $0xFFFFF830  }
0x42: {  	_ =	swait.ge [sflag:s25], $0x7D0  }
0x43: {  	[sflag:s25] =	ssyncset.done $0x0  }
0x44: {  	s6 =	simm.s32 $0x20;
	[sflag:s25] =	ssyncadd.s32 $0xFFFFF830  }
0x45: {  	s29 =	simm.s32 $0x2730;
	v0 =	vld [tilespmem:s6+$0x20]  }
0x46: {  	v1 =	vld [tilespmem:s29+$0x20]  }
0x47: {  	v2 =	vld [tilespmem:s29+$0xFFFFFFE0]  }
0x48: {  	v3 =	vld [tilespmem:s6+$0xFFFFFFF0]  }
0x49: {  	v4 =	vld [tilespmem:s29+$0xFFFFFFF0]  }
0x4a: {  	v5 =	vld [tilespmem:s6+$0x0]  }
0x4b: {  	v6 =	vld [tilespmem:s29+$0x0]  }
0x4c: {  	v8 =	vld [tilespmem:s6+$0x10]  }
0x4d: {  	v11 =	vld [tilespmem:s29+$0x10]  }
0x4e: {  	v12 =	vld [tilespmem:s6+$0xFFFFFFE0]  }
0x4f: {  	v9 =	vld.idx.msk [tilespmem:v0+s22+$0x0], $0xffff  }
0x50: {  	v10 =	vld.idx.msk [tilespmem:v1+s23+$0x0], $0xffff  }
0x51: {  	v0 =	vld.idx.msk [tilespmem:v2+s23+$0x0], $0xffff  }
0x52: {  	v3 =	vld.idx.msk [tilespmem:v3+s22+$0x0], $0xffff  }
0x53: {  	v7 =	vld.idx.msk [tilespmem:v4+s23+$0x0], $0xffff  }
0x54: {  	v1 =	vld.idx.msk [tilespmem:v5+s22+$0x0], $0xffff  }
0x55: {  	v4 =	vld.idx.msk [tilespmem:v6+s23+$0x0], $0xffff  }
0x56: {  	v2 =	vld.idx.msk [tilespmem:v8+s22+$0x0], $0xffff;
	v6 =	vadd.f32 v10, v9  }
0x57: {  	s1 =	simm.s32 $0x9E40;
	v5 =	vld.idx.msk [tilespmem:v11+s23+$0x0], $0xffff  }
0x58: {  	s3 =	simm.s32 $0x0;
	s5 =	simm.s32 $0x70;
	[tilespmem:s1+$0x20] =	vst v6;
	v6 =	vld.idx.msk [tilespmem:v12+s22+$0x0], $0xffff  }
.LBB2_2:
0x59: {  	v8 =	vld [tilespmem:s5+$0x20];
	v3 =	vadd.f32 v7, v3;
	s29 =	sadd.s32 $0x50, s29  }
0x5a: {  	s3 =	sadd.s32 $0x5, s3;
	v7 =	vld [tilespmem:s29+$0x20]  }
0x5b: {  	p1 =	slt.u32 s3, $0x78;
	v1 =	vadd.f32 v4, v1;
	v9 =	vld [tilespmem:s29+$0xFFFFFFE0];
	[tilespmem:s1+$0xFFFFFFF0] =	vst v3  }
0x5c: {  	v3 =	vld [tilespmem:s5+$0xFFFFFFF0]  }
0x5d: {  	v4 =	vld [tilespmem:s29+$0xFFFFFFF0];
	[tilespmem:s1+$0x0] =	vst v1;
	v1 =	vadd.f32 v5, v2  }
0x5e: {  	v0 =	vadd.f32 v0, v6;
	v2 =	vld [tilespmem:s5+$0x0]  }
0x5f: {  	v5 =	vld [tilespmem:s29+$0x0];
	[tilespmem:s1+$0x10] =	vst v1  }
0x60: {  	v6 =	vld [tilespmem:s5+$0x10];
	[tilespmem:s1+$0xFFFFFFE0] =	vst v0  }
0x61: {  	v8 =	vld.idx.msk [tilespmem:v8+s22+$0x0], $0xffff  }
0x62: {  	v10 =	vld.idx.msk [tilespmem:v7+s23+$0x0], $0xffff  }
0x63: {  	v11 =	vld [tilespmem:s29+$0x10]  }
0x64: {  	v12 =	vld [tilespmem:s5+$0xFFFFFFE0]  }
0x65: {  	v0 =	vld.idx.msk [tilespmem:v9+s23+$0x0], $0xffff  }
0x66: {  	v3 =	vld.idx.msk [tilespmem:v3+s22+$0x0], $0xffff  }
0x67: {  	v7 =	vld.idx.msk [tilespmem:v4+s23+$0x0], $0xffff  }
.Ltmp0:
0x68: {  	v8 =	vadd.f32 v10, v8;
	v1 =	vld.idx.msk [tilespmem:v2+s22+$0x0], $0xffff;
	(pc) =	sbr.rel @p1 .LBB2_2-.Ltmp0, $4  }
0x69: {  	s1 =	sadd.s32 $0x50, s1;
	v4 =	vld.idx.msk [tilespmem:v5+s23+$0x0], $0xffff  }
0x6a: {  	v2 =	vld.idx.msk [tilespmem:v6+s22+$0x0], $0xffff;
	[tilespmem:s1+$0x20] =	vst v8  }
0x6b: {  	v5 =	vld.idx.msk [tilespmem:v11+s23+$0x0], $0xffff  }
0x6c: {  	s5 =	sadd.s32 $0x50, s5;
	v6 =	vld.idx.msk [tilespmem:v12+s22+$0x0], $0xffff  }
0x6d: {  	_ = 	snop  }
0x6e: {  	v3 =	vadd.f32 v7, v3  }
0x6f: {  	v1 =	vadd.f32 v4, v1  }
0x70: {  	[tilespmem:s1+$0xFFFFFFF0] =	vst v3;
	v2 =	vadd.f32 v5, v2  }
0x71: {  	[tilespmem:s1+$0x0] =	vst v1;
	v0 =	vadd.f32 v0, v6  }
0x72: {  	[tilespmem:s1+$0x10] =	vst v2  }
0x73: {  	s5 =	simm.s32 $0x9E20;
	[tilespmem:s1+$0xFFFFFFE0] =	vst v0  }
0x74: {  	[hbm4b:s16+s4] =	stream.linear.scatter [tilespmem:s5], [sflag:$0x2], $0x7D0, $0x38;
	[tilespmem:$0xCA30] =	vst v63  }
0x75: {  	_ =	swait.ge [sflag:s28], $0x7D0  }
0x76: {  	[sflag:s28] =	ssyncset.done $0x0  }
0x77: {  	[sflag:s28] =	ssyncadd.s32 $0xFFFFF830  }
0x78: {  	_ =	swait.ge [sflag:s28], $0x7D0  }
0x79: {  	[sflag:s28] =	ssyncset.done $0x0  }
0x7a: {  	s6 =	simm.s32 $0x810;
	[sflag:s28] =	ssyncadd.s32 $0xFFFFF830  }
0x7b: {  	s29 =	simm.s32 $0x2F20;
	v0 =	vld [tilespmem:s6+$0x0]  }
0x7c: {  	v1 =	vld [tilespmem:s29+$0x0]  }
0x7d: {  	v2 =	vld [tilespmem:s29+$0xFFFFFFC0]  }
0x7e: {  	v3 =	vld [tilespmem:s6+$0xFFFFFFD0]  }
0x7f: {  	v4 =	vld [tilespmem:s29+$0xFFFFFFD0]  }
0x80: {  	v5 =	vld [tilespmem:s6+$0xFFFFFFE0]  }
0x81: {  	v6 =	vld [tilespmem:s29+$0xFFFFFFE0]  }
0x82: {  	v8 =	vld [tilespmem:s6+$0xFFFFFFF0]  }
0x83: {  	v11 =	vld [tilespmem:s29+$0xFFFFFFF0]  }
0x84: {  	v12 =	vld [tilespmem:s6+$0xFFFFFFC0]  }
0x85: {  	v9 =	vld.idx.msk [tilespmem:v0+s22+$0x0], $0xffff  }
0x86: {  	v10 =	vld.idx.msk [tilespmem:v1+s23+$0x0], $0xffff  }
0x87: {  	v0 =	vld.idx.msk [tilespmem:v2+s23+$0x0], $0xffff  }
0x88: {  	v3 =	vld.idx.msk [tilespmem:v3+s22+$0x0], $0xffff  }
0x89: {  	v7 =	vld.idx.msk [tilespmem:v4+s23+$0x0], $0xffff  }
0x8a: {  	v1 =	vld.idx.msk [tilespmem:v5+s22+$0x0], $0xffff  }
0x8b: {  	v4 =	vld.idx.msk [tilespmem:v6+s23+$0x0], $0xffff  }
0x8c: {  	v2 =	vld.idx.msk [tilespmem:v8+s22+$0x0], $0xffff;
	v6 =	vadd.f32 v10, v9  }
0x8d: {  	s1 =	simm.s32 $0xA630;
	v5 =	vld.idx.msk [tilespmem:v11+s23+$0x0], $0xffff  }
0x8e: {  	s3 =	simm.s32 $0x7D;
	s5 =	simm.s32 $0x860;
	[tilespmem:s1+$0x0] =	vst v6;
	v6 =	vld.idx.msk [tilespmem:v12+s22+$0x0], $0xffff  }
.LBB2_4:
0x8f: {  	v8 =	vld [tilespmem:s5+$0x0];
	v3 =	vadd.f32 v7, v3;
	s29 =	sadd.s32 $0x50, s29  }
0x90: {  	s3 =	sadd.s32 $0x5, s3;
	v7 =	vld [tilespmem:s29+$0x0]  }
0x91: {  	p1 =	slt.u32 s3, $0xF5;
	v1 =	vadd.f32 v4, v1;
	v9 =	vld [tilespmem:s29+$0xFFFFFFC0];
	[tilespmem:s1+$0xFFFFFFD0] =	vst v3  }
0x92: {  	v3 =	vld [tilespmem:s5+$0xFFFFFFD0]  }
0x93: {  	v4 =	vld [tilespmem:s29+$0xFFFFFFD0];
	[tilespmem:s1+$0xFFFFFFE0] =	vst v1;
	v1 =	vadd.f32 v5, v2  }
0x94: {  	v0 =	vadd.f32 v0, v6;
	v2 =	vld [tilespmem:s5+$0xFFFFFFE0]  }
0x95: {  	v5 =	vld [tilespmem:s29+$0xFFFFFFE0];
	[tilespmem:s1+$0xFFFFFFF0] =	vst v1  }
0x96: {  	v6 =	vld [tilespmem:s5+$0xFFFFFFF0];
	[tilespmem:s1+$0xFFFFFFC0] =	vst v0  }
0x97: {  	v8 =	vld.idx.msk [tilespmem:v8+s22+$0x0], $0xffff  }
0x98: {  	v10 =	vld.idx.msk [tilespmem:v7+s23+$0x0], $0xffff  }
0x99: {  	v11 =	vld [tilespmem:s29+$0xFFFFFFF0]  }
0x9a: {  	v12 =	vld [tilespmem:s5+$0xFFFFFFC0]  }
0x9b: {  	v0 =	vld.idx.msk [tilespmem:v9+s23+$0x0], $0xffff  }
0x9c: {  	v3 =	vld.idx.msk [tilespmem:v3+s22+$0x0], $0xffff  }
0x9d: {  	v7 =	vld.idx.msk [tilespmem:v4+s23+$0x0], $0xffff  }
.Ltmp1:
0x9e: {  	v8 =	vadd.f32 v10, v8;
	v1 =	vld.idx.msk [tilespmem:v2+s22+$0x0], $0xffff;
	(pc) =	sbr.rel @p1 .LBB2_4-.Ltmp1, $4  }
0x9f: {  	s1 =	sadd.s32 $0x50, s1;
	v4 =	vld.idx.msk [tilespmem:v5+s23+$0x0], $0xffff  }
0xa0: {  	v2 =	vld.idx.msk [tilespmem:v6+s22+$0x0], $0xffff;
	[tilespmem:s1+$0x0] =	vst v8  }
0xa1: {  	v5 =	vld.idx.msk [tilespmem:v11+s23+$0x0], $0xffff  }
0xa2: {  	s5 =	sadd.s32 $0x50, s5;
	v6 =	vld.idx.msk [tilespmem:v12+s22+$0x0], $0xffff  }
0xa3: {  	_ = 	snop  }
0xa4: {  	v3 =	vadd.f32 v7, v3  }
0xa5: {  	v1 =	vadd.f32 v4, v1  }
0xa6: {  	[tilespmem:s1+$0xFFFFFFD0] =	vst v3;
	v2 =	vadd.f32 v5, v2  }
0xa7: {  	[tilespmem:s1+$0xFFFFFFE0] =	vst v1;
	v0 =	vadd.f32 v0, v6  }
0xa8: {  	[tilespmem:s1+$0xFFFFFFF0] =	vst v2  }
0xa9: {  	s5 =	simm.s32 $0xA5F0;
	[tilespmem:s1+$0xFFFFFFC0] =	vst v0  }
0xaa: {  	[hbm4b:s17+s4] =	stream.linear.scatter [tilespmem:s5], [sflag:$0x2], $0x7D0, $0x38;
	[tilespmem:$0xCA30] =	vst v63  }
0xab: {  	_ =	swait.ge [sflag:s30], $0x7D0  }
0xac: {  	[sflag:s30] =	ssyncset.done $0x0  }
0xad: {  	[sflag:s30] =	ssyncadd.s32 $0xFFFFF830  }
0xae: {  	_ =	swait.ge [sflag:s30], $0x7D0  }
0xaf: {  	[sflag:s30] =	ssyncset.done $0x0  }
0xb0: {  	s6 =	simm.s32 $0xFE0;
	[sflag:s30] =	ssyncadd.s32 $0xFFFFF830  }
0xb1: {  	s29 =	simm.s32 $0x36F0;
	v0 =	vld [tilespmem:s6+$0x0]  }
0xb2: {  	v1 =	vld [tilespmem:s29+$0x0]  }
0xb3: {  	v2 =	vld [tilespmem:s29+$0xFFFFFFC0]  }
0xb4: {  	v3 =	vld [tilespmem:s6+$0xFFFFFFD0]  }
0xb5: {  	v4 =	vld [tilespmem:s29+$0xFFFFFFD0]  }
0xb6: {  	v5 =	vld [tilespmem:s6+$0xFFFFFFE0]  }
0xb7: {  	v6 =	vld [tilespmem:s29+$0xFFFFFFE0]  }
0xb8: {  	v8 =	vld [tilespmem:s6+$0xFFFFFFF0]  }
0xb9: {  	v11 =	vld [tilespmem:s29+$0xFFFFFFF0]  }
0xba: {  	v12 =	vld [tilespmem:s6+$0xFFFFFFC0]  }
0xbb: {  	v9 =	vld.idx.msk [tilespmem:v0+s22+$0x0], $0xffff  }
0xbc: {  	v10 =	vld.idx.msk [tilespmem:v1+s23+$0x0], $0xffff  }
0xbd: {  	v0 =	vld.idx.msk [tilespmem:v2+s23+$0x0], $0xffff  }
0xbe: {  	v3 =	vld.idx.msk [tilespmem:v3+s22+$0x0], $0xffff  }
0xbf: {  	v7 =	vld.idx.msk [tilespmem:v4+s23+$0x0], $0xffff  }
0xc0: {  	v1 =	vld.idx.msk [tilespmem:v5+s22+$0x0], $0xffff  }
0xc1: {  	v4 =	vld.idx.msk [tilespmem:v6+s23+$0x0], $0xffff  }
0xc2: {  	v2 =	vld.idx.msk [tilespmem:v8+s22+$0x0], $0xffff;
	v6 =	vadd.f32 v10, v9  }
0xc3: {  	s1 =	simm.s32 $0xAE00;
	v5 =	vld.idx.msk [tilespmem:v11+s23+$0x0], $0xffff  }
0xc4: {  	s3 =	simm.s32 $0xFA;
	s5 =	simm.s32 $0x1030;
	[tilespmem:s1+$0x0] =	vst v6;
	v6 =	vld.idx.msk [tilespmem:v12+s22+$0x0], $0xffff  }
.LBB2_6:
0xc5: {  	v8 =	vld [tilespmem:s5+$0x0];
	v3 =	vadd.f32 v7, v3;
	s29 =	sadd.s32 $0x50, s29  }
0xc6: {  	s3 =	sadd.s32 $0x5, s3;
	v7 =	vld [tilespmem:s29+$0x0]  }
0xc7: {  	p1 =	slt.u32 s3, $0x172;
	v1 =	vadd.f32 v4, v1;
	v9 =	vld [tilespmem:s29+$0xFFFFFFC0];
	[tilespmem:s1+$0xFFFFFFD0] =	vst v3  }
0xc8: {  	v3 =	vld [tilespmem:s5+$0xFFFFFFD0]  }
0xc9: {  	v4 =	vld [tilespmem:s29+$0xFFFFFFD0];
	[tilespmem:s1+$0xFFFFFFE0] =	vst v1;
	v1 =	vadd.f32 v5, v2  }
0xca: {  	v0 =	vadd.f32 v0, v6;
	v2 =	vld [tilespmem:s5+$0xFFFFFFE0]  }
0xcb: {  	v5 =	vld [tilespmem:s29+$0xFFFFFFE0];
	[tilespmem:s1+$0xFFFFFFF0] =	vst v1  }
0xcc: {  	v6 =	vld [tilespmem:s5+$0xFFFFFFF0];
	[tilespmem:s1+$0xFFFFFFC0] =	vst v0  }
0xcd: {  	v8 =	vld.idx.msk [tilespmem:v8+s22+$0x0], $0xffff  }
0xce: {  	v10 =	vld.idx.msk [tilespmem:v7+s23+$0x0], $0xffff  }
0xcf: {  	v11 =	vld [tilespmem:s29+$0xFFFFFFF0]  }
0xd0: {  	v12 =	vld [tilespmem:s5+$0xFFFFFFC0]  }
0xd1: {  	v0 =	vld.idx.msk [tilespmem:v9+s23+$0x0], $0xffff  }
0xd2: {  	v3 =	vld.idx.msk [tilespmem:v3+s22+$0x0], $0xffff  }
0xd3: {  	v7 =	vld.idx.msk [tilespmem:v4+s23+$0x0], $0xffff  }
.Ltmp2:
0xd4: {  	v8 =	vadd.f32 v10, v8;
	v1 =	vld.idx.msk [tilespmem:v2+s22+$0x0], $0xffff;
	(pc) =	sbr.rel @p1 .LBB2_6-.Ltmp2, $4  }
0xd5: {  	s1 =	sadd.s32 $0x50, s1;
	v4 =	vld.idx.msk [tilespmem:v5+s23+$0x0], $0xffff  }
0xd6: {  	v2 =	vld.idx.msk [tilespmem:v6+s22+$0x0], $0xffff;
	[tilespmem:s1+$0x0] =	vst v8  }
0xd7: {  	v5 =	vld.idx.msk [tilespmem:v11+s23+$0x0], $0xffff  }
0xd8: {  	s5 =	sadd.s32 $0x50, s5;
	v6 =	vld.idx.msk [tilespmem:v12+s22+$0x0], $0xffff  }
0xd9: {  	_ = 	snop  }
0xda: {  	v3 =	vadd.f32 v7, v3  }
0xdb: {  	v1 =	vadd.f32 v4, v1  }
0xdc: {  	[tilespmem:s1+$0xFFFFFFD0] =	vst v3;
	v2 =	vadd.f32 v5, v2  }
0xdd: {  	[tilespmem:s1+$0xFFFFFFE0] =	vst v1;
	v0 =	vadd.f32 v0, v6  }
0xde: {  	[tilespmem:s1+$0xFFFFFFF0] =	vst v2  }
0xdf: {  	s5 =	simm.s32 $0xADC0;
	[tilespmem:s1+$0xFFFFFFC0] =	vst v0  }
0xe0: {  	[hbm4b:s18+s4] =	stream.linear.scatter [tilespmem:s5], [sflag:$0x2], $0x7D0, $0x38;
	[tilespmem:$0xCA30] =	vst v63  }
0xe1: {  	_ =	swait.ge [sflag:s2], $0x7D0  }
0xe2: {  	[sflag:s2] =	ssyncset.done $0x0  }
0xe3: {  	[sflag:s2] =	ssyncadd.s32 $0xFFFFF830  }
0xe4: {  	_ =	swait.ge [sflag:s2], $0x7D0  }
0xe5: {  	[sflag:s2] =	ssyncset.done $0x0  }
0xe6: {  	s6 =	simm.s32 $0x17B0;
	[sflag:s2] =	ssyncadd.s32 $0xFFFFF830  }
0xe7: {  	s29 =	simm.s32 $0x3EC0;
	v0 =	vld [tilespmem:s6+$0x0]  }
0xe8: {  	v1 =	vld [tilespmem:s29+$0x0]  }
0xe9: {  	v2 =	vld [tilespmem:s29+$0xFFFFFFC0]  }
0xea: {  	v3 =	vld [tilespmem:s6+$0xFFFFFFD0]  }
0xeb: {  	v4 =	vld [tilespmem:s29+$0xFFFFFFD0]  }
0xec: {  	v5 =	vld [tilespmem:s6+$0xFFFFFFE0]  }
0xed: {  	v6 =	vld [tilespmem:s29+$0xFFFFFFE0]  }
0xee: {  	v8 =	vld [tilespmem:s6+$0xFFFFFFF0]  }
0xef: {  	v11 =	vld [tilespmem:s29+$0xFFFFFFF0]  }
0xf0: {  	v12 =	vld [tilespmem:s6+$0xFFFFFFC0]  }
0xf1: {  	v9 =	vld.idx.msk [tilespmem:v0+s22+$0x0], $0xffff  }
0xf2: {  	v10 =	vld.idx.msk [tilespmem:v1+s23+$0x0], $0xffff  }
0xf3: {  	v0 =	vld.idx.msk [tilespmem:v2+s23+$0x0], $0xffff  }
0xf4: {  	v3 =	vld.idx.msk [tilespmem:v3+s22+$0x0], $0xffff  }
0xf5: {  	v7 =	vld.idx.msk [tilespmem:v4+s23+$0x0], $0xffff  }
0xf6: {  	v1 =	vld.idx.msk [tilespmem:v5+s22+$0x0], $0xffff  }
0xf7: {  	v4 =	vld.idx.msk [tilespmem:v6+s23+$0x0], $0xffff  }
0xf8: {  	v2 =	vld.idx.msk [tilespmem:v8+s22+$0x0], $0xffff;
	v6 =	vadd.f32 v10, v9  }
0xf9: {  	s1 =	simm.s32 $0xB5D0;
	v5 =	vld.idx.msk [tilespmem:v11+s23+$0x0], $0xffff  }
0xfa: {  	s3 =	simm.s32 $0x177;
	s5 =	simm.s32 $0x1800;
	[tilespmem:s1+$0x0] =	vst v6;
	v6 =	vld.idx.msk [tilespmem:v12+s22+$0x0], $0xffff  }
.LBB2_8:
0xfb: {  	v8 =	vld [tilespmem:s5+$0x0];
	v3 =	vadd.f32 v7, v3;
	s29 =	sadd.s32 $0x50, s29  }
0xfc: {  	s3 =	sadd.s32 $0x5, s3;
	v7 =	vld [tilespmem:s29+$0x0]  }
0xfd: {  	p1 =	slt.u32 s3, $0x1EF;
	v1 =	vadd.f32 v4, v1;
	v9 =	vld [tilespmem:s29+$0xFFFFFFC0];
	[tilespmem:s1+$0xFFFFFFD0] =	vst v3  }
0xfe: {  	v3 =	vld [tilespmem:s5+$0xFFFFFFD0]  }
0xff: {  	v4 =	vld [tilespmem:s29+$0xFFFFFFD0];
	[tilespmem:s1+$0xFFFFFFE0] =	vst v1;
	v1 =	vadd.f32 v5, v2  }
0x100: {  	v0 =	vadd.f32 v0, v6;
	v2 =	vld [tilespmem:s5+$0xFFFFFFE0]  }
0x101: {  	v5 =	vld [tilespmem:s29+$0xFFFFFFE0];
	[tilespmem:s1+$0xFFFFFFF0] =	vst v1  }
0x102: {  	v6 =	vld [tilespmem:s5+$0xFFFFFFF0];
	[tilespmem:s1+$0xFFFFFFC0] =	vst v0  }
0x103: {  	v8 =	vld.idx.msk [tilespmem:v8+s22+$0x0], $0xffff  }
0x104: {  	v10 =	vld.idx.msk [tilespmem:v7+s23+$0x0], $0xffff  }
0x105: {  	v11 =	vld [tilespmem:s29+$0xFFFFFFF0]  }
0x106: {  	v12 =	vld [tilespmem:s5+$0xFFFFFFC0]  }
0x107: {  	v0 =	vld.idx.msk [tilespmem:v9+s23+$0x0], $0xffff  }
0x108: {  	v3 =	vld.idx.msk [tilespmem:v3+s22+$0x0], $0xffff  }
0x109: {  	v7 =	vld.idx.msk [tilespmem:v4+s23+$0x0], $0xffff  }
.Ltmp3:
0x10a: {  	v8 =	vadd.f32 v10, v8;
	v1 =	vld.idx.msk [tilespmem:v2+s22+$0x0], $0xffff;
	(pc) =	sbr.rel @p1 .LBB2_8-.Ltmp3, $4  }
0x10b: {  	s1 =	sadd.s32 $0x50, s1;
	v4 =	vld.idx.msk [tilespmem:v5+s23+$0x0], $0xffff  }
0x10c: {  	v2 =	vld.idx.msk [tilespmem:v6+s22+$0x0], $0xffff;
	[tilespmem:s1+$0x0] =	vst v8  }
0x10d: {  	v5 =	vld.idx.msk [tilespmem:v11+s23+$0x0], $0xffff  }
0x10e: {  	s5 =	sadd.s32 $0x50, s5;
	v6 =	vld.idx.msk [tilespmem:v12+s22+$0x0], $0xffff  }
0x10f: {  	_ = 	snop  }
0x110: {  	v3 =	vadd.f32 v7, v3  }
0x111: {  	v1 =	vadd.f32 v4, v1  }
0x112: {  	[tilespmem:s1+$0xFFFFFFD0] =	vst v3;
	v2 =	vadd.f32 v5, v2  }
0x113: {  	[tilespmem:s1+$0xFFFFFFE0] =	vst v1;
	v0 =	vadd.f32 v0, v6  }
0x114: {  	[tilespmem:s1+$0xFFFFFFF0] =	vst v2  }
0x115: {  	s5 =	simm.s32 $0xB590;
	[tilespmem:s1+$0xFFFFFFC0] =	vst v0  }
0x116: {  	[hbm4b:s19+s4] =	stream.linear.scatter [tilespmem:s5], [sflag:$0x2], $0x7D0, $0x38;
	[tilespmem:$0xCA30] =	vst v63  }
0x117: {  	_ =	swait.ge [sflag:s26], $0x7D0  }
0x118: {  	[sflag:s26] =	ssyncset.done $0x0  }
0x119: {  	[sflag:s26] =	ssyncadd.s32 $0xFFFFF830  }
0x11a: {  	_ =	swait.ge [sflag:s26], $0x7D0  }
0x11b: {  	[sflag:s26] =	ssyncset.done $0x0  }
0x11c: {  	s6 =	simm.s32 $0x1F80;
	[sflag:s26] =	ssyncadd.s32 $0xFFFFF830  }
0x11d: {  	s29 =	simm.s32 $0x4690;
	v0 =	vld [tilespmem:s6+$0x0]  }
0x11e: {  	v1 =	vld [tilespmem:s29+$0x0]  }
0x11f: {  	v2 =	vld [tilespmem:s29+$0xFFFFFFC0]  }
0x120: {  	v3 =	vld [tilespmem:s6+$0xFFFFFFD0]  }
0x121: {  	v4 =	vld [tilespmem:s29+$0xFFFFFFD0]  }
0x122: {  	v5 =	vld [tilespmem:s6+$0xFFFFFFE0]  }
0x123: {  	v6 =	vld [tilespmem:s29+$0xFFFFFFE0]  }
0x124: {  	v8 =	vld [tilespmem:s6+$0xFFFFFFF0]  }
0x125: {  	v11 =	vld [tilespmem:s29+$0xFFFFFFF0]  }
0x126: {  	v12 =	vld [tilespmem:s6+$0xFFFFFFC0]  }
0x127: {  	v9 =	vld.idx.msk [tilespmem:v0+s22+$0x0], $0xffff  }
0x128: {  	v10 =	vld.idx.msk [tilespmem:v1+s23+$0x0], $0xffff  }
0x129: {  	v0 =	vld.idx.msk [tilespmem:v2+s23+$0x0], $0xffff  }
0x12a: {  	v3 =	vld.idx.msk [tilespmem:v3+s22+$0x0], $0xffff  }
0x12b: {  	v7 =	vld.idx.msk [tilespmem:v4+s23+$0x0], $0xffff  }
0x12c: {  	v1 =	vld.idx.msk [tilespmem:v5+s22+$0x0], $0xffff  }
0x12d: {  	v4 =	vld.idx.msk [tilespmem:v6+s23+$0x0], $0xffff  }
0x12e: {  	v2 =	vld.idx.msk [tilespmem:v8+s22+$0x0], $0xffff;
	v6 =	vadd.f32 v10, v9  }
0x12f: {  	s1 =	simm.s32 $0xBDA0;
	v5 =	vld.idx.msk [tilespmem:v11+s23+$0x0], $0xffff  }
0x130: {  	s3 =	simm.s32 $0x1F4;
	s5 =	simm.s32 $0x1FD0;
	[tilespmem:s1+$0x0] =	vst v6;
	v6 =	vld.idx.msk [tilespmem:v12+s22+$0x0], $0xffff  }
.LBB2_10:
0x131: {  	v8 =	vld [tilespmem:s5+$0x0];
	v3 =	vadd.f32 v7, v3;
	s29 =	sadd.s32 $0x50, s29  }
0x132: {  	s3 =	sadd.s32 $0x5, s3;
	v7 =	vld [tilespmem:s29+$0x0]  }
0x133: {  	p1 =	slt.u32 s3, $0x26C;
	v1 =	vadd.f32 v4, v1;
	v9 =	vld [tilespmem:s29+$0xFFFFFFC0];
	[tilespmem:s1+$0xFFFFFFD0] =	vst v3  }
0x134: {  	v3 =	vld [tilespmem:s5+$0xFFFFFFD0]  }
0x135: {  	v4 =	vld [tilespmem:s29+$0xFFFFFFD0];
	[tilespmem:s1+$0xFFFFFFE0] =	vst v1;
	v1 =	vadd.f32 v5, v2  }
0x136: {  	v0 =	vadd.f32 v0, v6;
	v2 =	vld [tilespmem:s5+$0xFFFFFFE0]  }
0x137: {  	v5 =	vld [tilespmem:s29+$0xFFFFFFE0];
	[tilespmem:s1+$0xFFFFFFF0] =	vst v1  }
0x138: {  	v6 =	vld [tilespmem:s5+$0xFFFFFFF0];
	[tilespmem:s1+$0xFFFFFFC0] =	vst v0  }
0x139: {  	v8 =	vld.idx.msk [tilespmem:v8+s22+$0x0], $0xffff  }
0x13a: {  	v10 =	vld.idx.msk [tilespmem:v7+s23+$0x0], $0xffff  }
0x13b: {  	v11 =	vld [tilespmem:s29+$0xFFFFFFF0]  }
0x13c: {  	v12 =	vld [tilespmem:s5+$0xFFFFFFC0]  }
0x13d: {  	v0 =	vld.idx.msk [tilespmem:v9+s23+$0x0], $0xffff  }
0x13e: {  	v3 =	vld.idx.msk [tilespmem:v3+s22+$0x0], $0xffff  }
0x13f: {  	v7 =	vld.idx.msk [tilespmem:v4+s23+$0x0], $0xffff  }
.Ltmp4:
0x140: {  	v8 =	vadd.f32 v10, v8;
	v1 =	vld.idx.msk [tilespmem:v2+s22+$0x0], $0xffff;
	(pc) =	sbr.rel @p1 .LBB2_10-.Ltmp4, $4  }
0x141: {  	s1 =	sadd.s32 $0x50, s1;
	v4 =	vld.idx.msk [tilespmem:v5+s23+$0x0], $0xffff  }
0x142: {  	v2 =	vld.idx.msk [tilespmem:v6+s22+$0x0], $0xffff;
	[tilespmem:s1+$0x0] =	vst v8  }
0x143: {  	v5 =	vld.idx.msk [tilespmem:v11+s23+$0x0], $0xffff  }
0x144: {  	s5 =	sadd.s32 $0x50, s5;
	v6 =	vld.idx.msk [tilespmem:v12+s22+$0x0], $0xffff  }
0x145: {  	_ = 	snop  }
0x146: {  	v3 =	vadd.f32 v7, v3  }
0x147: {  	v1 =	vadd.f32 v4, v1  }
0x148: {  	[tilespmem:s1+$0xFFFFFFD0] =	vst v3;
	v2 =	vadd.f32 v5, v2  }
0x149: {  	[tilespmem:s1+$0xFFFFFFE0] =	vst v1;
	v0 =	vadd.f32 v0, v6  }
0x14a: {  	[tilespmem:s1+$0xFFFFFFF0] =	vst v2  }
0x14b: {  	s29 =	simm.s32 $0xBD60;
	[tilespmem:s1+$0xFFFFFFC0] =	vst v0  }
0x14c: {  	[hbm4b:s20+s4] =	stream.linear.scatter [tilespmem:s29], [sflag:$0x2], $0x7D0, $0x38;
	[tilespmem:$0xCA30] =	vst v63  }
0x14d: {  	_ =	swait.ge [sflag:s31], $0x7D0  }
0x14e: {  	[sflag:s31] =	ssyncset.done $0x0  }
0x14f: {  	[sflag:s31] =	ssyncadd.s32 $0xFFFFF830  }
0x150: {  	_ =	swait.ge [sflag:s31], $0x7D0  }
0x151: {  	[sflag:s31] =	ssyncset.done $0x0  }
0x152: {  	[sflag:s31] =	ssyncadd.s32 $0xFFFFF830  }
0x153: {  	_ =	swait.ge [sflag:s31], $0x7D0  }
0x154: {  	[sflag:s31] =	ssyncset.done $0x0  }
0x155: {  	s0 =	sadd.s32 $0x1, s0;
	[sflag:s31] =	ssyncadd.s32 $0xFFFFF830  }
0x156: {  	p1 =	sne.s32 s0, s21;
	_ =	swait.ge [sflag:s31], $0x7D0  }
.Ltmp5:
0x157: {  	[sflag:s31] =	ssyncset.done $0x0;
	(pc) =	sbr.rel @p1 .LBB2_1-.Ltmp5, $4  }
0x158: {  	[sflag:s31] =	ssyncadd.s32 $0xFFFFF830  }
0x159: {  	_ =	swait.ge [sflag:s31], $0x7D0  }
0x15a: {  	[sflag:s31] =	ssyncset.done $0x0  }
0x15b: {  	[sflag:s31] =	ssyncadd.s32 $0xFFFFF830  }
0x15c: {  	_ =	sfence.sel $0x180000  }
0x15d: {  	[bflag:$0x0] =	sbarrier.arrive $0xFFFF  }
0x15e: {  	_ =	strace $0x90000047  }
0x15f: {  	[bflag:$0x2] =	sbarrier.arrive $0xFFFF  }
0x160: {  	s0 =	rddreg [dreg:$0x6]  }
0x161: {  	s0 =	sadd.s32 @!p0 $0x100000, s0  }
0x162: {  	[sflag:s0] =	ssyncadd.tile.s32 @!p0 $0x1;
	_ =	shalt  }
.Lfunc_end2:
_tile_overlayer_lowered:
.L_overlay_start_2:
0x163: {  	(tag) =	ssettag $0x2  }
0x164: {  	s0 =	rddreg [dreg:$0x0];
	s2 =	stileid.u32  }
0x165: {  	s1 =	rddreg [dreg:$0x1];
	p0 =	sne.s32 s2, $0x0  }
0x166: {  	s3 =	rddreg [dreg:$0x2];
	[bflag:$0x3] =	sbarrier.arrive $0xFFFF;
	s2 =	simm.s32 @!p0 $0x1C08  }
0x167: {  	[timem:s3], [sflag:s2] =	dma.local @!p0 [hbm:s0], s1  }
0x168: {  	s0 =	simm.s32 @!p0 $0x8  }
0x169: {  	_ =	swait.ge @!p0 [sflag:s0], s1  }
0x16a: {  	s1 =	ssub.s32 @!p0 $0x0, s1;
	[sflag:s0] =	ssyncset.done @!p0 $0x0  }
0x16b: {  	[sflag:s0] =	ssyncadd.s32 @!p0 s1  }
0x16c: {  	[bflag:$0x3] =	sbarrier.arrive $0xFFFF  }
0x16d: {  	_ =	shalt  }

</sc_bundles>
